<compile_context>
chip_gen: v7x
topology: tpu7x:2x2x1
jax: 0.10.2.dev20260603
libtpu: 0.0.44.dev20260713+nightly
codegen_flags: <defaults>
</compile_context>

<pallas_src>
import dataclasses
import functools

import jax
import jax.numpy as jnp
from jax import lax
from jax.experimental import pallas as pl
from jax.experimental.pallas import tpu as pltpu
from jax.experimental.pallas import tpu_sc as plsc

_N = 10000
_E = 320000
_D = 128
_NC = 2
_NS = 16
_L = 16
_W = _NC * _NS
_NP = 10240
_CH = 128
_NCH = _E // _CH
_CPW = _NCH // _W
_EPW = _CPW * _CH
_EXTRA = _NCH - _W * _CPW
_DPW = _E // _W
_NPA = 10112
_RPSA = _NPA // _NS
_HR = _NP // 128
_HRPS = 8
_HSUB = _HR // _HRPS

_mesh = plsc.VectorSubcoreMesh(core_axis_name="c", subcore_axis_name="s")


def _sc_params():
    cp = pltpu.CompilerParams()
    if "needs_layout_passes" in pltpu.CompilerParams.__dataclass_fields__:
        cp = dataclasses.replace(cp, needs_layout_passes=False)
    return cp


@functools.partial(
    pl.kernel,
    out_type=jax.ShapeDtypeStruct((_NC, _HR, 128), jnp.float32),
    mesh=_mesh,
    scratch_types=[
        pltpu.VMEM((_DPW,), jnp.int32),
        pltpu.VMEM((_HR, 128), jnp.float32),
        pltpu.VMEM((_HRPS, 128), jnp.float32),
        pltpu.VMEM((_HRPS, 128), jnp.float32),
        pltpu.VMEM_SHARED((_NS * _HR, 128), jnp.float32),
    ],
    compiler_params=_sc_params(),
)
def _sc_degree(dst_hbm, out_hbm, idx_v, hist_v, red_v, tmp_v, stage_sh):
    cid = lax.axis_index("c")
    sid = lax.axis_index("s")
    w = cid * _NS + sid

    pltpu.sync_copy(dst_hbm.at[pl.ds(w * _DPW, _DPW)], idx_v)

    @pl.loop(0, _HR)
    def _(i):
        @pl.loop(0, 128 // _L)
        def _(j):
            hist_v[i, pl.ds(j * _L, _L)] = jnp.zeros((_L,), jnp.float32)

    ones = jnp.full((_L,), 1.0, jnp.float32)

    @pl.loop(0, _DPW // _L)
    def _(j):
        idx = idx_v[pl.ds(j * _L, _L)]
        plsc.addupdate_scatter(
            hist_v,
            [lax.shift_right_logical(idx, 7), lax.bitwise_and(idx, 127)],
            ones,
        )

    pltpu.sync_copy(hist_v, stage_sh.at[pl.ds(sid * _HR, _HR)])
    plsc.subcore_barrier()

    @pl.when(sid < _HSUB)
    def _():
        pltpu.sync_copy(stage_sh.at[pl.ds(sid * _HRPS, _HRPS)], red_v)

        @pl.loop(1, _NS)
        def _(k):
            pltpu.sync_copy(
                stage_sh.at[pl.ds(k * _HR + sid * _HRPS, _HRPS)], tmp_v
            )

            @pl.loop(0, _HRPS)
            def _(r):
                @pl.loop(0, 128 // _L)
                def _(j):
                    red_v[r, pl.ds(j * _L, _L)] = (
                        red_v[r, pl.ds(j * _L, _L)]
                        + tmp_v[r, pl.ds(j * _L, _L)]
                    )

        pltpu.sync_copy(red_v, out_hbm.at[cid, pl.ds(sid * _HRPS, _HRPS)])


@functools.partial(
    pl.kernel,
    out_type=jax.ShapeDtypeStruct((_NC, _NPA, _D), jnp.float32),
    mesh=_mesh,
    scratch_types=[
        [pltpu.VMEM((_CH,), jnp.int32) for _ in range(3)],
        [pltpu.VMEM((_CH,), jnp.int32) for _ in range(3)],
        [pltpu.VMEM((_CH, _D), jnp.float32) for _ in range(3)],
        pltpu.VMEM_SHARED((_NPA, _D), jnp.float32),
        [pltpu.SemaphoreType.DMA for _ in range(3)],
        [pltpu.SemaphoreType.DMA for _ in range(3)],
        [pltpu.SemaphoreType.DMA for _ in range(3)],
    ],
)
def _sc_aggregate(g_hbm, src_hbm, dst_hbm, out_hbm, isv, idv,
                  rows, acc_sh, ss, sd, sg):
    cid = lax.axis_index("c")
    sid = lax.axis_index("s")
    w = cid * _NS + sid
    base = w * _EPW

    def src_chunk(e):
        return src_hbm.at[pl.ds(base + e * _CH, _CH)]

    def dst_chunk(e):
        return dst_hbm.at[pl.ds(base + e * _CH, _CH)]

    for q in range(3):
        pltpu.async_copy(src_chunk(q), isv[q], ss[q])
        pltpu.async_copy(dst_chunk(q), idv[q], sd[q])

    @pl.loop(0, _CH)
    def _(i):
        @pl.loop(0, _D // _L)
        def _(j):
            rows[2][i, pl.ds(j * _L, _L)] = jnp.zeros((_L,), jnp.float32)

    for b in range(2):
        pltpu.make_async_copy(src_chunk(b), isv[b], ss[b]).wait()
        pltpu.async_copy(g_hbm.at[isv[b]], rows[b], sg[b])

    @pl.loop(0, 4)
    def _(i):
        pltpu.sync_copy(
            rows[2], acc_sh.at[pl.ds(sid * _RPSA + i * _CH, _CH)]
        )

    pltpu.sync_copy(
        rows[2].at[pl.ds(0, _RPSA - 4 * _CH)],
        acc_sh.at[pl.ds(sid * _RPSA + 4 * _CH, _RPSA - 4 * _CH)],
    )

    pltpu.make_async_copy(src_chunk(2), isv[2], ss[2]).wait()
    pltpu.async_copy(g_hbm.at[isv[2]], rows[2], sg[2])

    plsc.subcore_barrier()

    @pl.loop(0, _CPW // 3)
    def _(j):
        for b in range(3):
            e = 3 * j + b
            pltpu.make_async_copy(g_hbm.at[isv[b]], rows[b], sg[b]).wait()

            @pl.when(e < _CPW - 3)
            def _():
                pltpu.async_copy(src_chunk(e + 3), isv[b], ss[b])

            pltpu.make_async_copy(dst_chunk(0), idv[b], sd[b]).wait()
            pltpu.sync_copy(rows[b], acc_sh.at[idv[b]], add=True)

            @pl.when(e < _CPW - 3)
            def _():
                pltpu.async_copy(dst_chunk(e + 3), idv[b], sd[b])
                pltpu.make_async_copy(src_chunk(0), isv[b], ss[b]).wait()
                pltpu.async_copy(g_hbm.at[isv[b]], rows[b], sg[b])

    eidx = sid * _NC + cid

    @pl.when(eidx < _EXTRA)
    def _():
        ebase = (_W * _CPW + eidx) * _CH
        pltpu.sync_copy(src_hbm.at[pl.ds(ebase, _CH)], isv[0])
        pltpu.sync_copy(dst_hbm.at[pl.ds(ebase, _CH)], idv[0])
        pltpu.async_copy(g_hbm.at[isv[0]], rows[0], sg[0])
        pltpu.make_async_copy(g_hbm.at[isv[0]], rows[0], sg[0]).wait()
        pltpu.sync_copy(rows[0], acc_sh.at[idv[0]], add=True)

    plsc.subcore_barrier()
    pltpu.sync_copy(
        acc_sh.at[pl.ds(sid * _RPSA, _RPSA)],
        out_hbm.at[cid, pl.ds(sid * _RPSA, _RPSA)],
    )


def _tc_project(x, proj_W, conv_W, deg):
    def body(x_ref, pw_ref, cw_ref, dg_ref, g_ref):
        wc = lax.dot_general(
            cw_ref[...], pw_ref[...], (((1,), (0,)), ((), ())),
            preferred_element_type=jnp.float32,
        )
        h = lax.dot_general(
            x_ref[...], wc, (((1,), (1,)), ((), ())),
            preferred_element_type=jnp.float32,
        )
        g_ref[0:_N, :] = h * lax.rsqrt(dg_ref[0:_N, :] + 1.0)
        g_ref[_N:_NP, :] = jnp.zeros((_NP - _N, _D), jnp.float32)

    return pl.pallas_call(
        body,
        out_shape=jax.ShapeDtypeStruct((_NP, _D), jnp.float32),
    )(x, proj_W, conv_W, deg)


def _tc_finish(v_parts, g, deg, b2d):
    def body(vp_ref, g_ref, dg_ref, b_ref, o_ref):
        v = vp_ref[0, 0:_N, :] + vp_ref[1, 0:_N, :] + g_ref[0:_N, :]
        pre = v * lax.rsqrt(dg_ref[0:_N, :] + 1.0) + b_ref[...]
        nrm = jnp.sqrt(jnp.sum(pre * pre, axis=1, keepdims=True))
        o_ref[...] = pre / jnp.maximum(nrm, 1e-12)

    return pl.pallas_call(
        body,
        out_shape=jax.ShapeDtypeStruct((_N, _D), jnp.float32),
    )(v_parts, g, deg, b2d)


def kernel(x, edge_index, proj_W, conv_W, conv_b):
    src = edge_index[0].astype(jnp.int32)
    dst = edge_index[1].astype(jnp.int32)

    hist_parts = _sc_degree(dst)
    deg = (hist_parts[0] + hist_parts[1]).reshape(_NP)[:, None]
    g = _tc_project(x, proj_W, conv_W, deg)
    v_parts = _sc_aggregate(g, src, dst)
    out = _tc_finish(v_parts, g, deg, conv_b.reshape(1, _D))
    return out

# --- scband reference (transcript-rebuilt; emitter-appended) ---
"""Pipeline reference for scband-embedding-alignment-gnn-45122926412247 (READ-ONLY COPY).

The authoritative reference and input builder live on the scoring server;
editing this copy changes nothing except your own understanding.
"""

import jax, jax.numpy as jnp
import numpy as np

N_NODES = 10000
N_EDGES = 320000
IN_DIM = 128
OUT_DIM = 128


def setup_inputs(seed: int = 0) -> dict:
    key = jax.random.key(seed)
    k1, k2, k3 = jax.random.split(key, 3)
    x = jax.random.normal(k1, (N_NODES, IN_DIM), dtype=jnp.float32)
    edge_index = jax.random.randint(k2, (2, N_EDGES), 0, N_NODES, dtype=jnp.int64)
    # projection: nn.Linear(input_dim, output_dim, bias=False), weight init eye*0.1
    proj_W = jnp.eye(OUT_DIM, IN_DIM, dtype=jnp.float32) * 0.1
    # GCNConv(output_dim, output_dim): weight [out, in] glorot, bias zeros
    limit = float(np.sqrt(6.0 / (OUT_DIM + OUT_DIM)))
    conv_W = jax.random.uniform(k3, (OUT_DIM, OUT_DIM), dtype=jnp.float32, minval=-limit, maxval=limit)
    conv_b = jnp.zeros((OUT_DIM,), dtype=jnp.float32)
    return {"x": x, "edge_index": edge_index, "proj_W": proj_W, "conv_W": conv_W, "conv_b": conv_b}


def reference(x, edge_index, proj_W, conv_W, conv_b):
    N = x.shape[0]
    # 1) projection (no bias)
    x = x @ proj_W.T
    # 2) GCNConv: add self-loops, symmetric normalization, scatter-add aggregation
    loop = jnp.arange(N, dtype=edge_index.dtype)
    src = jnp.concatenate([edge_index[0], loop])
    dst = jnp.concatenate([edge_index[1], loop])
    h = x @ conv_W.T
    deg = jnp.zeros((N,), dtype=h.dtype).at[dst].add(1.0)
    deg_inv_sqrt = jnp.where(deg > 0, jax.lax.rsqrt(jnp.maximum(deg, 1.0)), 0.0)
    norm = deg_inv_sqrt[src] * deg_inv_sqrt[dst]
    msgs = h[src] * norm[:, None]
    out = jnp.zeros((N, h.shape[1]), dtype=h.dtype).at[dst].add(msgs)
    out = out + conv_b
    # 3) F.normalize(x, dim=1), eps=1e-12
    nrm = jnp.sqrt(jnp.sum(out * out, axis=1, keepdims=True))
    out = out / jnp.maximum(nrm, 1e-12)
    return out

if __name__ == "__main__":
    import jax
    _d = setup_inputs()
    print(jax.jit(kernel)(*tuple(_d.values())))

</pallas_src>

<mosaic_0001>
#map = affine_map<(d0, d1) -> (0)>
#map1 = affine_map<(d0, d1) -> (0, 0, 0)>
module attributes {stable_mosaic.version = 14 : i64} {
  func.func @_sc_degree(%arg0: i32, %arg1: i32, %arg2: memref<320000xi32, #tpu.memory_space<hbm>>, %arg3: memref<2x80x128xf32, #tpu.memory_space<hbm>>, %arg4: memref<10000xi32, #tpu.memory_space<vmem>>, %arg5: memref<80x128xf32, #tpu.memory_space<vmem>>, %arg6: memref<8x128xf32, #tpu.memory_space<vmem>>, %arg7: memref<8x128xf32, #tpu.memory_space<vmem>>, %arg8: memref<1280x128xf32, #tpu.memory_space<vmem_shared>>) attributes {dimension_semantics = [#tpu.dimension_semantics<core_parallel>, #tpu.dimension_semantics<subcore_parallel>], iteration_bounds = array<i64: 2, 16>, scalar_prefetch = 0 : i64, scratch_operands = 5 : i64, tpu.core_type = #tpu.core_type<sc_vector_subcore>, window_params = [{transform_indices = #map}, {transform_indices = #map1}]} {
    %mul3A = arith.constant 16 : i32
    %mul3A_0 = arith.muli %arg0, %mul3A : i32
    %add3A = arith.addi %mul3A_0, %arg1 : i32
    %mul3A_1 = arith.constant 10000 : i32
    %mul3A_2 = arith.muli %add3A, %mul3A_1 : i32
    "tpu.region"() ({
      %run_scoped3A = tpu.sem_alloc : memref<!tpu.dma_semaphore, #tpu.memory_space<semaphore_mem>>
      %dma_start3A = tpu.memref_slice %arg2[%mul3A_2] : memref<320000xi32, #tpu.memory_space<hbm>> -> memref<10000xi32, #tpu.memory_space<hbm>>
      %dma_start3A_17 = tpu.memref_slice %arg2[%mul3A_2] : memref<320000xi32, #tpu.memory_space<hbm>> -> memref<10000xi32, #tpu.memory_space<hbm>>
      tpu.enqueue_dma source(%dma_start3A_17 : memref<10000xi32, #tpu.memory_space<hbm>>) target(%arg4 : memref<10000xi32, #tpu.memory_space<vmem>>) target_semaphore(%run_scoped3A : memref<!tpu.dma_semaphore, #tpu.memory_space<semaphore_mem>>)
      %dma_wait3A = tpu.memref_slice %arg2[%mul3A_2] : memref<320000xi32, #tpu.memory_space<hbm>> -> memref<10000xi32, #tpu.memory_space<hbm>>
      %dma_wait3A_18 = tpu.memref_slice %arg2[%mul3A_2] : memref<320000xi32, #tpu.memory_space<hbm>> -> memref<10000xi32, #tpu.memory_space<hbm>>
      tpu.wait_dma2 semaphore(%run_scoped3A : memref<!tpu.dma_semaphore, #tpu.memory_space<semaphore_mem>>) src(%dma_wait3A_18 : memref<10000xi32, #tpu.memory_space<hbm>>) dst(%arg4 : memref<10000xi32, #tpu.memory_space<vmem>>)
      tpu.yield
    }) : () -> ()
    %scan3A = arith.constant 0 : i32
    %scan3A_3 = arith.constant 80 : i32
    %scan3A_4 = arith.addi %scan3A, %scan3A_3 : i32
    %scan3A_5 = arith.constant 1 : i32
    scf.for %scan3A_17 = %scan3A to %scan3A_4 step %scan3A_5  : i32 {
      %mul3A_18 = arith.constant 1 : i32
      %mul3A_19 = arith.muli %scan3A_17, %mul3A_18 : i32
      %add3A_20 = arith.constant 0 : i32
      %add3A_21 = arith.addi %add3A_20, %mul3A_19 : i32
      %scan3A_22 = arith.constant 0 : i32
      %scan3A_23 = arith.constant 8 : i32
      %scan3A_24 = arith.addi %scan3A_22, %scan3A_23 : i32
      %scan3A_25 = arith.constant 1 : i32
      scf.for %scan3A_27 = %scan3A_22 to %scan3A_24 step %scan3A_25  : i32 {
        %mul3A_28 = arith.constant 1 : i32
        %mul3A_29 = arith.muli %scan3A_27, %mul3A_28 : i32
        %add3A_30 = arith.constant 0 : i32
        %add3A_31 = arith.addi %add3A_30, %mul3A_29 : i32
        %broadcast_in_dim3A_32 = arith.constant 0.000000e+00 : f32
        %broadcast_in_dim3A_33 = vector.broadcast %broadcast_in_dim3A_32 : f32 to vector<16xf32>
        %mul3A_34 = arith.constant 16 : i32
        %mul3A_35 = arith.muli %add3A_31, %mul3A_34 : i32
        %swap3A = arith.index_cast %add3A_21 : i32 to index
        %swap3A_36 = arith.index_cast %mul3A_35 : i32 to index
        %swap3A_37 = tpu.vector_load %arg5[%swap3A, %swap3A_36] {strides = array<i32>} : memref<80x128xf32, #tpu.memory_space<vmem>>, vector<16xf32>,
        tpu.vector_store %arg5[%swap3A, %swap3A_36], %broadcast_in_dim3A_33 {strides = array<i32>} : memref<80x128xf32, #tpu.memory_space<vmem>>, vector<16xf32>,
      }
      %scan3A_26 = arith.constant 8 : i32
    }
    %scan3A_6 = arith.constant 80 : i32
    %broadcast_in_dim3A = arith.constant 1.000000e+00 : f32
    %broadcast_in_dim3A_7 = vector.broadcast %broadcast_in_dim3A : f32 to vector<16xf32>
    %scan3A_8 = arith.constant 0 : i32
    %scan3A_9 = arith.constant 625 : i32
    %scan3A_10 = arith.addi %scan3A_8, %scan3A_9 : i32
    %scan3A_11 = arith.constant 1 : i32
    scf.for %scan3A_17 = %scan3A_8 to %scan3A_10 step %scan3A_11  : i32 {
      %mul3A_18 = arith.constant 1 : i32
      %mul3A_19 = arith.muli %scan3A_17, %mul3A_18 : i32
      %add3A_20 = arith.constant 0 : i32
      %add3A_21 = arith.addi %add3A_20, %mul3A_19 : i32
      %mul3A_22 = arith.constant 16 : i32
      %mul3A_23 = arith.muli %add3A_21, %mul3A_22 : i32
      %get3A = arith.index_cast %mul3A_23 : i32 to index
      %get3A_24 = tpu.vector_load %arg4[%get3A] {strides = array<i32>} : memref<10000xi32, #tpu.memory_space<vmem>>, vector<16xi32>,
      %shift_right_logical3A = arith.constant 7 : i32
      %shift_right_logical3A_25 = vector.broadcast %shift_right_logical3A : i32 to vector<16xi32>
      %shift_right_logical3A_26 = arith.shrui %get3A_24, %shift_right_logical3A_25 : vector<16xi32>
      %and3A = arith.constant 127 : i32
      %and3A_27 = vector.broadcast %and3A : i32 to vector<16xi32>
      %and3A_28 = arith.andi %get3A_24, %and3A_27 : vector<16xi32>
      tpu.vector_store_idx %arg5[%shift_right_logical3A_26, %and3A_28], %broadcast_in_dim3A_7 {add = true} : memref<80x128xf32, #tpu.memory_space<vmem>>[vector<16xi32>, vector<16xi32>], vector<16xf32>,
    }
    %scan3A_12 = arith.constant 625 : i32
    %mul3A_13 = arith.constant 80 : i32
    %mul3A_14 = arith.muli %arg1, %mul3A_13 : i32
    "tpu.region"() ({
      %run_scoped3A = tpu.sem_alloc : memref<!tpu.dma_semaphore, #tpu.memory_space<semaphore_mem>>
      %dma_start3A = arith.constant 0 : i32
      %dma_start3A_17 = tpu.memref_slice %arg8[%mul3A_14, %dma_start3A] : memref<1280x128xf32, #tpu.memory_space<vmem_shared>> -> memref<80x128xf32, #tpu.memory_space<vmem_shared>>
      %dma_start3A_18 = arith.constant 0 : i32
      %dma_start3A_19 = tpu.memref_slice %arg8[%mul3A_14, %dma_start3A_18] : memref<1280x128xf32, #tpu.memory_space<vmem_shared>> -> memref<80x128xf32, #tpu.memory_space<vmem_shared>>
      tpu.enqueue_dma source(%arg5 : memref<80x128xf32, #tpu.memory_space<vmem>>) target(%dma_start3A_19 : memref<80x128xf32, #tpu.memory_space<vmem_shared>>) target_semaphore(%run_scoped3A : memref<!tpu.dma_semaphore, #tpu.memory_space<semaphore_mem>>)
      %dma_wait3A = arith.constant 0 : i32
      %dma_wait3A_20 = tpu.memref_slice %arg8[%mul3A_14, %dma_wait3A] : memref<1280x128xf32, #tpu.memory_space<vmem_shared>> -> memref<80x128xf32, #tpu.memory_space<vmem_shared>>
      %dma_wait3A_21 = arith.constant 0 : i32
      %dma_wait3A_22 = tpu.memref_slice %arg8[%mul3A_14, %dma_wait3A_21] : memref<1280x128xf32, #tpu.memory_space<vmem_shared>> -> memref<80x128xf32, #tpu.memory_space<vmem_shared>>
      tpu.wait_dma2 semaphore(%run_scoped3A : memref<!tpu.dma_semaphore, #tpu.memory_space<semaphore_mem>>) src(%arg5 : memref<80x128xf32, #tpu.memory_space<vmem>>) dst(%dma_wait3A_22 : memref<80x128xf32, #tpu.memory_space<vmem_shared>>)
      tpu.yield
    }) : () -> ()
    %barrier3A = arith.constant 0 : index
    tpu.barrier barrier_id(%barrier3A)
    %lt3A = arith.constant 10 : i32
    %lt3A_15 = arith.cmpi slt, %arg1, %lt3A : i32
    %convert_element_type3A = arith.extui %lt3A_15 : i1 to i32
    %cond3A = arith.constant 0 : i32
    %cond3A_16 = arith.cmpi ne, %convert_element_type3A, %cond3A : i32
    scf.if %cond3A_16 {
      %mul3A_17 = arith.constant 8 : i32
      %mul3A_18 = arith.muli %arg1, %mul3A_17 : i32
      "tpu.region"() ({
        %run_scoped3A = tpu.sem_alloc : memref<!tpu.dma_semaphore, #tpu.memory_space<semaphore_mem>>
        %dma_start3A = arith.constant 0 : i32
        %dma_start3A_26 = tpu.memref_slice %arg8[%mul3A_18, %dma_start3A] : memref<1280x128xf32, #tpu.memory_space<vmem_shared>> -> memref<8x128xf32, #tpu.memory_space<vmem_shared>>
        %dma_start3A_27 = arith.constant 0 : i32
        %dma_start3A_28 = tpu.memref_slice %arg8[%mul3A_18, %dma_start3A_27] : memref<1280x128xf32, #tpu.memory_space<vmem_shared>> -> memref<8x128xf32, #tpu.memory_space<vmem_shared>>
        tpu.enqueue_dma source(%dma_start3A_28 : memref<8x128xf32, #tpu.memory_space<vmem_shared>>) target(%arg6 : memref<8x128xf32, #tpu.memory_space<vmem>>) target_semaphore(%run_scoped3A : memref<!tpu.dma_semaphore, #tpu.memory_space<semaphore_mem>>)
        %dma_wait3A = arith.constant 0 : i32
        %dma_wait3A_29 = tpu.memref_slice %arg8[%mul3A_18, %dma_wait3A] : memref<1280x128xf32, #tpu.memory_space<vmem_shared>> -> memref<8x128xf32, #tpu.memory_space<vmem_shared>>
        %dma_wait3A_30 = arith.constant 0 : i32
        %dma_wait3A_31 = tpu.memref_slice %arg8[%mul3A_18, %dma_wait3A_30] : memref<1280x128xf32, #tpu.memory_space<vmem_shared>> -> memref<8x128xf32, #tpu.memory_space<vmem_shared>>
        tpu.wait_dma2 semaphore(%run_scoped3A : memref<!tpu.dma_semaphore, #tpu.memory_space<semaphore_mem>>) src(%dma_wait3A_31 : memref<8x128xf32, #tpu.memory_space<vmem_shared>>) dst(%arg6 : memref<8x128xf32, #tpu.memory_space<vmem>>)
        tpu.yield
      }) : () -> ()
      %scan3A_19 = arith.constant 0 : i32
      %scan3A_20 = arith.constant 15 : i32
      %scan3A_21 = arith.addi %scan3A_19, %scan3A_20 : i32
      %scan3A_22 = arith.constant 1 : i32
      scf.for %scan3A_26 = %scan3A_19 to %scan3A_21 step %scan3A_22  : i32 {
        %mul3A_27 = arith.constant 1 : i32
        %mul3A_28 = arith.muli %scan3A_26, %mul3A_27 : i32
        %add3A_29 = arith.constant 1 : i32
        %add3A_30 = arith.addi %add3A_29, %mul3A_28 : i32
        %mul3A_31 = arith.constant 80 : i32
        %mul3A_32 = arith.muli %add3A_30, %mul3A_31 : i32
        %mul3A_33 = arith.constant 8 : i32
        %mul3A_34 = arith.muli %arg1, %mul3A_33 : i32
        %add3A_35 = arith.addi %mul3A_32, %mul3A_34 : i32
        "tpu.region"() ({
          %run_scoped3A = tpu.sem_alloc : memref<!tpu.dma_semaphore, #tpu.memory_space<semaphore_mem>>
          %dma_start3A = arith.constant 0 : i32
          %dma_start3A_41 = tpu.memref_slice %arg8[%add3A_35, %dma_start3A] : memref<1280x128xf32, #tpu.memory_space<vmem_shared>> -> memref<8x128xf32, #tpu.memory_space<vmem_shared>>
          %dma_start3A_42 = arith.constant 0 : i32
          %dma_start3A_43 = tpu.memref_slice %arg8[%add3A_35, %dma_start3A_42] : memref<1280x128xf32, #tpu.memory_space<vmem_shared>> -> memref<8x128xf32, #tpu.memory_space<vmem_shared>>
          tpu.enqueue_dma source(%dma_start3A_43 : memref<8x128xf32, #tpu.memory_space<vmem_shared>>) target(%arg7 : memref<8x128xf32, #tpu.memory_space<vmem>>) target_semaphore(%run_scoped3A : memref<!tpu.dma_semaphore, #tpu.memory_space<semaphore_mem>>)
          %dma_wait3A = arith.constant 0 : i32
          %dma_wait3A_44 = tpu.memref_slice %arg8[%add3A_35, %dma_wait3A] : memref<1280x128xf32, #tpu.memory_space<vmem_shared>> -> memref<8x128xf32, #tpu.memory_space<vmem_shared>>
          %dma_wait3A_45 = arith.constant 0 : i32
          %dma_wait3A_46 = tpu.memref_slice %arg8[%add3A_35, %dma_wait3A_45] : memref<1280x128xf32, #tpu.memory_space<vmem_shared>> -> memref<8x128xf32, #tpu.memory_space<vmem_shared>>
          tpu.wait_dma2 semaphore(%run_scoped3A : memref<!tpu.dma_semaphore, #tpu.memory_space<semaphore_mem>>) src(%dma_wait3A_46 : memref<8x128xf32, #tpu.memory_space<vmem_shared>>) dst(%arg7 : memref<8x128xf32, #tpu.memory_space<vmem>>)
          tpu.yield
        }) : () -> ()
        %scan3A_36 = arith.constant 0 : i32
        %scan3A_37 = arith.constant 8 : i32
        %scan3A_38 = arith.addi %scan3A_36, %scan3A_37 : i32
        %scan3A_39 = arith.constant 1 : i32
        scf.for %scan3A_41 = %scan3A_36 to %scan3A_38 step %scan3A_39  : i32 {
          %mul3A_42 = arith.constant 1 : i32
          %mul3A_43 = arith.muli %scan3A_41, %mul3A_42 : i32
          %add3A_44 = arith.constant 0 : i32
          %add3A_45 = arith.addi %add3A_44, %mul3A_43 : i32
          %scan3A_46 = arith.constant 0 : i32
          %scan3A_47 = arith.constant 8 : i32
          %scan3A_48 = arith.addi %scan3A_46, %scan3A_47 : i32
          %scan3A_49 = arith.constant 1 : i32
          scf.for %scan3A_51 = %scan3A_46 to %scan3A_48 step %scan3A_49  : i32 {
            %mul3A_52 = arith.constant 1 : i32
            %mul3A_53 = arith.muli %scan3A_51, %mul3A_52 : i32
            %add3A_54 = arith.constant 0 : i32
            %add3A_55 = arith.addi %add3A_54, %mul3A_53 : i32
            %mul3A_56 = arith.constant 16 : i32
            %mul3A_57 = arith.muli %add3A_55, %mul3A_56 : i32
            %get3A = arith.index_cast %add3A_45 : i32 to index
            %get3A_58 = arith.index_cast %mul3A_57 : i32 to index
            %get3A_59 = tpu.vector_load %arg6[%get3A, %get3A_58] {strides = array<i32>} : memref<8x128xf32, #tpu.memory_space<vmem>>, vector<16xf32>,
            %mul3A_60 = arith.constant 16 : i32
            %mul3A_61 = arith.muli %add3A_55, %mul3A_60 : i32
            %get3A_62 = arith.index_cast %add3A_45 : i32 to index
            %get3A_63 = arith.index_cast %mul3A_61 : i32 to index
            %get3A_64 = tpu.vector_load %arg7[%get3A_62, %get3A_63] {strides = array<i32>} : memref<8x128xf32, #tpu.memory_space<vmem>>, vector<16xf32>,
            %add3A_65 = arith.addf %get3A_59, %get3A_64 : vector<16xf32>
            %mul3A_66 = arith.constant 16 : i32
            %mul3A_67 = arith.muli %add3A_55, %mul3A_66 : i32
            %swap3A = arith.index_cast %add3A_45 : i32 to index
            %swap3A_68 = arith.index_cast %mul3A_67 : i32 to index
            %swap3A_69 = tpu.vector_load %arg6[%swap3A, %swap3A_68] {strides = array<i32>} : memref<8x128xf32, #tpu.memory_space<vmem>>, vector<16xf32>,
            tpu.vector_store %arg6[%swap3A, %swap3A_68], %add3A_65 {strides = array<i32>} : memref<8x128xf32, #tpu.memory_space<vmem>>, vector<16xf32>,
          }
          %scan3A_50 = arith.constant 8 : i32
        }
        %scan3A_40 = arith.constant 8 : i32
      }
      %scan3A_23 = arith.constant 15 : i32
      %mul3A_24 = arith.constant 8 : i32
      %mul3A_25 = arith.muli %arg1, %mul3A_24 : i32
      "tpu.region"() ({
        %run_scoped3A = tpu.sem_alloc : memref<!tpu.dma_semaphore, #tpu.memory_space<semaphore_mem>>
        %dma_start3A = arith.constant 0 : i32
        %dma_start3A_26 = tpu.memref_slice %arg3[%arg0, %mul3A_25, %dma_start3A] : memref<2x80x128xf32, #tpu.memory_space<hbm>> -> memref<1x8x128xf32, #tpu.memory_space<hbm>>
        %dma_start3A_27 = tpu.memref_squeeze %dma_start3A_26 : memref<1x8x128xf32, #tpu.memory_space<hbm>> -> memref<8x128xf32, #tpu.memory_space<hbm>>
        %dma_start3A_28 = arith.constant 0 : i32
        %dma_start3A_29 = tpu.memref_slice %arg3[%arg0, %mul3A_25, %dma_start3A_28] : memref<2x80x128xf32, #tpu.memory_space<hbm>> -> memref<1x8x128xf32, #tpu.memory_space<hbm>>
        %dma_start3A_30 = tpu.memref_squeeze %dma_start3A_29 : memref<1x8x128xf32, #tpu.memory_space<hbm>> -> memref<8x128xf32, #tpu.memory_space<hbm>>
        tpu.enqueue_dma source(%arg6 : memref<8x128xf32, #tpu.memory_space<vmem>>) target(%dma_start3A_30 : memref<8x128xf32, #tpu.memory_space<hbm>>) target_semaphore(%run_scoped3A : memref<!tpu.dma_semaphore, #tpu.memory_space<semaphore_mem>>)
        %dma_wait3A = arith.constant 0 : i32
        %dma_wait3A_31 = tpu.memref_slice %arg3[%arg0, %mul3A_25, %dma_wait3A] : memref<2x80x128xf32, #tpu.memory_space<hbm>> -> memref<1x8x128xf32, #tpu.memory_space<hbm>>
        %dma_wait3A_32 = tpu.memref_squeeze %dma_wait3A_31 : memref<1x8x128xf32, #tpu.memory_space<hbm>> -> memref<8x128xf32, #tpu.memory_space<hbm>>
        %dma_wait3A_33 = arith.constant 0 : i32
        %dma_wait3A_34 = tpu.memref_slice %arg3[%arg0, %mul3A_25, %dma_wait3A_33] : memref<2x80x128xf32, #tpu.memory_space<hbm>> -> memref<1x8x128xf32, #tpu.memory_space<hbm>>
        %dma_wait3A_35 = tpu.memref_squeeze %dma_wait3A_34 : memref<1x8x128xf32, #tpu.memory_space<hbm>> -> memref<8x128xf32, #tpu.memory_space<hbm>>
        tpu.wait_dma2 semaphore(%run_scoped3A : memref<!tpu.dma_semaphore, #tpu.memory_space<semaphore_mem>>) src(%arg6 : memref<8x128xf32, #tpu.memory_space<vmem>>) dst(%dma_wait3A_35 : memref<8x128xf32, #tpu.memory_space<hbm>>)
        tpu.yield
      }) : () -> ()
    } else {
    }
    return
  }
}

#map = affine_map<(d0, d1) -> (0, 0)>
#map1 = affine_map<(d0, d1) -> (0)>
#map2 = affine_map<(d0, d1) -> (0, 0, 0)>
module attributes {stable_mosaic.version = 14 : i64} {
  func.func @_sc_aggregate(%arg0: i32, %arg1: i32, %arg2: memref<10240x128xf32, #tpu.memory_space<hbm>>, %arg3: memref<320000xi32, #tpu.memory_space<hbm>>, %arg4: memref<320000xi32, #tpu.memory_space<hbm>>, %arg5: memref<2x10112x128xf32, #tpu.memory_space<hbm>>, %arg6: memref<128xi32, #tpu.memory_space<vmem>>, %arg7: memref<128xi32, #tpu.memory_space<vmem>>, %arg8: memref<128xi32, #tpu.memory_space<vmem>>, %arg9: memref<128xi32, #tpu.memory_space<vmem>>, %arg10: memref<128xi32, #tpu.memory_space<vmem>>, %arg11: memref<128xi32, #tpu.memory_space<vmem>>, %arg12: memref<128x128xf32, #tpu.memory_space<vmem>>, %arg13: memref<128x128xf32, #tpu.memory_space<vmem>>, %arg14: memref<128x128xf32, #tpu.memory_space<vmem>>, %arg15: memref<10112x128xf32, #tpu.memory_space<vmem_shared>>, %arg16: memref<!tpu.dma_semaphore, #tpu.memory_space<semaphore_mem>>, %arg17: memref<!tpu.dma_semaphore, #tpu.memory_space<semaphore_mem>>, %arg18: memref<!tpu.dma_semaphore, #tpu.memory_space<semaphore_mem>>, %arg19: memref<!tpu.dma_semaphore, #tpu.memory_space<semaphore_mem>>, %arg20: memref<!tpu.dma_semaphore, #tpu.memory_space<semaphore_mem>>, %arg21: memref<!tpu.dma_semaphore, #tpu.memory_space<semaphore_mem>>, %arg22: memref<!tpu.dma_semaphore, #tpu.memory_space<semaphore_mem>>, %arg23: memref<!tpu.dma_semaphore, #tpu.memory_space<semaphore_mem>>, %arg24: memref<!tpu.dma_semaphore, #tpu.memory_space<semaphore_mem>>) attributes {dimension_semantics = [#tpu.dimension_semantics<core_parallel>, #tpu.dimension_semantics<subcore_parallel>], iteration_bounds = array<i64: 2, 16>, scalar_prefetch = 0 : i64, scratch_operands = 19 : i64, tpu.core_type = #tpu.core_type<sc_vector_subcore>, window_params = [{transform_indices = #map}, {transform_indices = #map1}, {transform_indices = #map1}, {transform_indices = #map2}]} {
    %mul3A = arith.constant 16 : i32
    %mul3A_0 = arith.muli %arg0, %mul3A : i32
    %add3A = arith.addi %mul3A_0, %arg1 : i32
    %mul3A_1 = arith.constant 9984 : i32
    %mul3A_2 = arith.muli %add3A, %mul3A_1 : i32
    %add3A_3 = arith.constant 0 : i32
    %add3A_4 = arith.addi %mul3A_2, %add3A_3 : i32
    %dma_start3A = tpu.memref_slice %arg3[%add3A_4] : memref<320000xi32, #tpu.memory_space<hbm>> -> memref<128xi32, #tpu.memory_space<hbm>>
    %dma_start3A_5 = tpu.memref_slice %arg3[%add3A_4] : memref<320000xi32, #tpu.memory_space<hbm>> -> memref<128xi32, #tpu.memory_space<hbm>>
    tpu.enqueue_dma source(%dma_start3A_5 : memref<128xi32, #tpu.memory_space<hbm>>) target(%arg6 : memref<128xi32, #tpu.memory_space<vmem>>) target_semaphore(%arg16 : memref<!tpu.dma_semaphore, #tpu.memory_space<semaphore_mem>>)
    %add3A_6 = arith.constant 0 : i32
    %add3A_7 = arith.addi %mul3A_2, %add3A_6 : i32
    %dma_start3A_8 = tpu.memref_slice %arg4[%add3A_7] : memref<320000xi32, #tpu.memory_space<hbm>> -> memref<128xi32, #tpu.memory_space<hbm>>
    %dma_start3A_9 = tpu.memref_slice %arg4[%add3A_7] : memref<320000xi32, #tpu.memory_space<hbm>> -> memref<128xi32, #tpu.memory_space<hbm>>
    tpu.enqueue_dma source(%dma_start3A_9 : memref<128xi32, #tpu.memory_space<hbm>>) target(%arg9 : memref<128xi32, #tpu.memory_space<vmem>>) target_semaphore(%arg19 : memref<!tpu.dma_semaphore, #tpu.memory_space<semaphore_mem>>)
    %add3A_10 = arith.constant 128 : i32
    %add3A_11 = arith.addi %mul3A_2, %add3A_10 : i32
    %dma_start3A_12 = tpu.memref_slice %arg3[%add3A_11] : memref<320000xi32, #tpu.memory_space<hbm>> -> memref<128xi32, #tpu.memory_space<hbm>>
    %dma_start3A_13 = tpu.memref_slice %arg3[%add3A_11] : memref<320000xi32, #tpu.memory_space<hbm>> -> memref<128xi32, #tpu.memory_space<hbm>>
    tpu.enqueue_dma source(%dma_start3A_13 : memref<128xi32, #tpu.memory_space<hbm>>) target(%arg7 : memref<128xi32, #tpu.memory_space<vmem>>) target_semaphore(%arg17 : memref<!tpu.dma_semaphore, #tpu.memory_space<semaphore_mem>>)
    %add3A_14 = arith.constant 128 : i32
    %add3A_15 = arith.addi %mul3A_2, %add3A_14 : i32
    %dma_start3A_16 = tpu.memref_slice %arg4[%add3A_15] : memref<320000xi32, #tpu.memory_space<hbm>> -> memref<128xi32, #tpu.memory_space<hbm>>
    %dma_start3A_17 = tpu.memref_slice %arg4[%add3A_15] : memref<320000xi32, #tpu.memory_space<hbm>> -> memref<128xi32, #tpu.memory_space<hbm>>
    tpu.enqueue_dma source(%dma_start3A_17 : memref<128xi32, #tpu.memory_space<hbm>>) target(%arg10 : memref<128xi32, #tpu.memory_space<vmem>>) target_semaphore(%arg20 : memref<!tpu.dma_semaphore, #tpu.memory_space<semaphore_mem>>)
    %add3A_18 = arith.constant 256 : i32
    %add3A_19 = arith.addi %mul3A_2, %add3A_18 : i32
    %dma_start3A_20 = tpu.memref_slice %arg3[%add3A_19] : memref<320000xi32, #tpu.memory_space<hbm>> -> memref<128xi32, #tpu.memory_space<hbm>>
    %dma_start3A_21 = tpu.memref_slice %arg3[%add3A_19] : memref<320000xi32, #tpu.memory_space<hbm>> -> memref<128xi32, #tpu.memory_space<hbm>>
    tpu.enqueue_dma source(%dma_start3A_21 : memref<128xi32, #tpu.memory_space<hbm>>) target(%arg8 : memref<128xi32, #tpu.memory_space<vmem>>) target_semaphore(%arg18 : memref<!tpu.dma_semaphore, #tpu.memory_space<semaphore_mem>>)
    %add3A_22 = arith.constant 256 : i32
    %add3A_23 = arith.addi %mul3A_2, %add3A_22 : i32
    %dma_start3A_24 = tpu.memref_slice %arg4[%add3A_23] : memref<320000xi32, #tpu.memory_space<hbm>> -> memref<128xi32, #tpu.memory_space<hbm>>
    %dma_start3A_25 = tpu.memref_slice %arg4[%add3A_23] : memref<320000xi32, #tpu.memory_space<hbm>> -> memref<128xi32, #tpu.memory_space<hbm>>
    tpu.enqueue_dma source(%dma_start3A_25 : memref<128xi32, #tpu.memory_space<hbm>>) target(%arg11 : memref<128xi32, #tpu.memory_space<vmem>>) target_semaphore(%arg21 : memref<!tpu.dma_semaphore, #tpu.memory_space<semaphore_mem>>)
    %scan3A = arith.constant 0 : i32
    %scan3A_26 = arith.constant 128 : i32
    %scan3A_27 = arith.addi %scan3A, %scan3A_26 : i32
    %scan3A_28 = arith.constant 1 : i32
    scf.for %scan3A_74 = %scan3A to %scan3A_27 step %scan3A_28  : i32 {
      %mul3A_75 = arith.constant 1 : i32
      %mul3A_76 = arith.muli %scan3A_74, %mul3A_75 : i32
      %add3A_77 = arith.constant 0 : i32
      %add3A_78 = arith.addi %add3A_77, %mul3A_76 : i32
      %scan3A_79 = arith.constant 0 : i32
      %scan3A_80 = arith.constant 8 : i32
      %scan3A_81 = arith.addi %scan3A_79, %scan3A_80 : i32
      %scan3A_82 = arith.constant 1 : i32
      scf.for %scan3A_84 = %scan3A_79 to %scan3A_81 step %scan3A_82  : i32 {
        %mul3A_85 = arith.constant 1 : i32
        %mul3A_86 = arith.muli %scan3A_84, %mul3A_85 : i32
        %add3A_87 = arith.constant 0 : i32
        %add3A_88 = arith.addi %add3A_87, %mul3A_86 : i32
        %broadcast_in_dim3A = arith.constant 0.000000e+00 : f32
        %broadcast_in_dim3A_89 = vector.broadcast %broadcast_in_dim3A : f32 to vector<16xf32>
        %mul3A_90 = arith.constant 16 : i32
        %mul3A_91 = arith.muli %add3A_88, %mul3A_90 : i32
        %swap3A = arith.index_cast %add3A_78 : i32 to index
        %swap3A_92 = arith.index_cast %mul3A_91 : i32 to index
        %swap3A_93 = tpu.vector_load %arg14[%swap3A, %swap3A_92] {strides = array<i32>} : memref<128x128xf32, #tpu.memory_space<vmem>>, vector<1x16xf32>,
        %swap3A_94 = vector.shape_cast %swap3A_93 : vector<1x16xf32> to vector<16xf32>
        %swap3A_95 = vector.shape_cast %broadcast_in_dim3A_89 : vector<16xf32> to vector<1x16xf32>
        tpu.vector_store %arg14[%swap3A, %swap3A_92], %swap3A_95 {strides = array<i32>} : memref<128x128xf32, #tpu.memory_space<vmem>>, vector<1x16xf32>,
      }
      %scan3A_83 = arith.constant 8 : i32
    }
    %scan3A_29 = arith.constant 128 : i32
    %add3A_30 = arith.constant 0 : i32
    %add3A_31 = arith.addi %mul3A_2, %add3A_30 : i32
    %dma_wait3A = tpu.memref_slice %arg3[%add3A_31] : memref<320000xi32, #tpu.memory_space<hbm>> -> memref<128xi32, #tpu.memory_space<hbm>>
    %dma_wait3A_32 = tpu.memref_slice %arg3[%add3A_31] : memref<320000xi32, #tpu.memory_space<hbm>> -> memref<128xi32, #tpu.memory_space<hbm>>
    tpu.wait_dma2 semaphore(%arg16 : memref<!tpu.dma_semaphore, #tpu.memory_space<semaphore_mem>>) src(%dma_wait3A_32 : memref<128xi32, #tpu.memory_space<hbm>>) dst(%arg6 : memref<128xi32, #tpu.memory_space<vmem>>)
    %dma_start3A_33 = arith.constant 0 : i32
    %dma_start3A_34 = arith.constant 0 : i32
    %dma_start3A_35 = tpu.memref_slice %arg2[%dma_start3A_33, %dma_start3A_34] : memref<10240x128xf32, #tpu.memory_space<hbm>> -> memref<10240x128xf32, #tpu.memory_space<hbm>>
    tpu.enqueue_indirect_dma source(%dma_start3A_35 : memref<10240x128xf32, #tpu.memory_space<hbm>>) target(%arg12 : memref<128x128xf32, #tpu.memory_space<vmem>>) offsets(%arg6 : memref<128xi32, #tpu.memory_space<vmem>>) semaphore(%arg22 : memref<!tpu.dma_semaphore, #tpu.memory_space<semaphore_mem>>)
    %add3A_36 = arith.constant 128 : i32
    %add3A_37 = arith.addi %mul3A_2, %add3A_36 : i32
    %dma_wait3A_38 = tpu.memref_slice %arg3[%add3A_37] : memref<320000xi32, #tpu.memory_space<hbm>> -> memref<128xi32, #tpu.memory_space<hbm>>
    %dma_wait3A_39 = tpu.memref_slice %arg3[%add3A_37] : memref<320000xi32, #tpu.memory_space<hbm>> -> memref<128xi32, #tpu.memory_space<hbm>>
    tpu.wait_dma2 semaphore(%arg17 : memref<!tpu.dma_semaphore, #tpu.memory_space<semaphore_mem>>) src(%dma_wait3A_39 : memref<128xi32, #tpu.memory_space<hbm>>) dst(%arg7 : memref<128xi32, #tpu.memory_space<vmem>>)
    %dma_start3A_40 = arith.constant 0 : i32
    %dma_start3A_41 = arith.constant 0 : i32
    %dma_start3A_42 = tpu.memref_slice %arg2[%dma_start3A_40, %dma_start3A_41] : memref<10240x128xf32, #tpu.memory_space<hbm>> -> memref<10240x128xf32, #tpu.memory_space<hbm>>
    tpu.enqueue_indirect_dma source(%dma_start3A_42 : memref<10240x128xf32, #tpu.memory_space<hbm>>) target(%arg13 : memref<128x128xf32, #tpu.memory_space<vmem>>) offsets(%arg7 : memref<128xi32, #tpu.memory_space<vmem>>) semaphore(%arg23 : memref<!tpu.dma_semaphore, #tpu.memory_space<semaphore_mem>>)
    %scan3A_43 = arith.constant 0 : i32
    %scan3A_44 = arith.constant 4 : i32
    %scan3A_45 = arith.addi %scan3A_43, %scan3A_44 : i32
    %scan3A_46 = arith.constant 1 : i32
    scf.for %scan3A_74 = %scan3A_43 to %scan3A_45 step %scan3A_46  : i32 {
      %mul3A_75 = arith.constant 1 : i32
      %mul3A_76 = arith.muli %scan3A_74, %mul3A_75 : i32
      %add3A_77 = arith.constant 0 : i32
      %add3A_78 = arith.addi %add3A_77, %mul3A_76 : i32
      %mul3A_79 = arith.constant 632 : i32
      %mul3A_80 = arith.muli %arg1, %mul3A_79 : i32
      %mul3A_81 = arith.constant 128 : i32
      %mul3A_82 = arith.muli %add3A_78, %mul3A_81 : i32
      %add3A_83 = arith.addi %mul3A_80, %mul3A_82 : i32
      "tpu.region"() ({
        %run_scoped3A = tpu.sem_alloc : memref<!tpu.dma_semaphore, #tpu.memory_space<semaphore_mem>>
        %dma_start3A_84 = arith.constant 0 : i32
        %dma_start3A_85 = tpu.memref_slice %arg15[%add3A_83, %dma_start3A_84] : memref<10112x128xf32, #tpu.memory_space<vmem_shared>> -> memref<128x128xf32, #tpu.memory_space<vmem_shared>>
        %dma_start3A_86 = arith.constant 0 : i32
        %dma_start3A_87 = tpu.memref_slice %arg15[%add3A_83, %dma_start3A_86] : memref<10112x128xf32, #tpu.memory_space<vmem_shared>> -> memref<128x128xf32, #tpu.memory_space<vmem_shared>>
        tpu.enqueue_dma source(%arg14 : memref<128x128xf32, #tpu.memory_space<vmem>>) target(%dma_start3A_87 : memref<128x128xf32, #tpu.memory_space<vmem_shared>>) target_semaphore(%run_scoped3A : memref<!tpu.dma_semaphore, #tpu.memory_space<semaphore_mem>>)
        %dma_wait3A_88 = arith.constant 0 : i32
        %dma_wait3A_89 = tpu.memref_slice %arg15[%add3A_83, %dma_wait3A_88] : memref<10112x128xf32, #tpu.memory_space<vmem_shared>> -> memref<128x128xf32, #tpu.memory_space<vmem_shared>>
        %dma_wait3A_90 = arith.constant 0 : i32
        %dma_wait3A_91 = tpu.memref_slice %arg15[%add3A_83, %dma_wait3A_90] : memref<10112x128xf32, #tpu.memory_space<vmem_shared>> -> memref<128x128xf32, #tpu.memory_space<vmem_shared>>
        tpu.wait_dma2 semaphore(%run_scoped3A : memref<!tpu.dma_semaphore, #tpu.memory_space<semaphore_mem>>) src(%arg14 : memref<128x128xf32, #tpu.memory_space<vmem>>) dst(%dma_wait3A_91 : memref<128x128xf32, #tpu.memory_space<vmem_shared>>)
        tpu.yield
      }) : () -> ()
    }
    %scan3A_47 = arith.constant 4 : i32
    %mul3A_48 = arith.constant 632 : i32
    %mul3A_49 = arith.muli %arg1, %mul3A_48 : i32
    %add3A_50 = arith.constant 512 : i32
    %add3A_51 = arith.addi %mul3A_49, %add3A_50 : i32
    "tpu.region"() ({
      %run_scoped3A = tpu.sem_alloc : memref<!tpu.dma_semaphore, #tpu.memory_space<semaphore_mem>>
      %dma_start3A_74 = arith.constant 0 : i32
      %dma_start3A_75 = arith.constant 0 : i32
      %dma_start3A_76 = tpu.memref_slice %arg14[%dma_start3A_74, %dma_start3A_75] : memref<128x128xf32, #tpu.memory_space<vmem>> -> memref<120x128xf32, #tpu.memory_space<vmem>>
      %dma_start3A_77 = arith.constant 0 : i32
      %dma_start3A_78 = tpu.memref_slice %arg15[%add3A_51, %dma_start3A_77] : memref<10112x128xf32, #tpu.memory_space<vmem_shared>> -> memref<120x128xf32, #tpu.memory_space<vmem_shared>>
      %dma_start3A_79 = arith.constant 0 : i32
      %dma_start3A_80 = tpu.memref_slice %arg15[%add3A_51, %dma_start3A_79] : memref<10112x128xf32, #tpu.memory_space<vmem_shared>> -> memref<120x128xf32, #tpu.memory_space<vmem_shared>>
      %dma_start3A_81 = arith.constant 0 : i32
      %dma_start3A_82 = arith.constant 0 : i32
      %dma_start3A_83 = tpu.memref_slice %arg14[%dma_start3A_81, %dma_start3A_82] : memref<128x128xf32, #tpu.memory_space<vmem>> -> memref<120x128xf32, #tpu.memory_space<vmem>>
      tpu.enqueue_dma source(%dma_start3A_83 : memref<120x128xf32, #tpu.memory_space<vmem>>) target(%dma_start3A_80 : memref<120x128xf32, #tpu.memory_space<vmem_shared>>) target_semaphore(%run_scoped3A : memref<!tpu.dma_semaphore, #tpu.memory_space<semaphore_mem>>)
      %dma_wait3A_84 = arith.constant 0 : i32
      %dma_wait3A_85 = arith.constant 0 : i32
      %dma_wait3A_86 = tpu.memref_slice %arg14[%dma_wait3A_84, %dma_wait3A_85] : memref<128x128xf32, #tpu.memory_space<vmem>> -> memref<120x128xf32, #tpu.memory_space<vmem>>
      %dma_wait3A_87 = arith.constant 0 : i32
      %dma_wait3A_88 = tpu.memref_slice %arg15[%add3A_51, %dma_wait3A_87] : memref<10112x128xf32, #tpu.memory_space<vmem_shared>> -> memref<120x128xf32, #tpu.memory_space<vmem_shared>>
      %dma_wait3A_89 = arith.constant 0 : i32
      %dma_wait3A_90 = tpu.memref_slice %arg15[%add3A_51, %dma_wait3A_89] : memref<10112x128xf32, #tpu.memory_space<vmem_shared>> -> memref<120x128xf32, #tpu.memory_space<vmem_shared>>
      %dma_wait3A_91 = arith.constant 0 : i32
      %dma_wait3A_92 = arith.constant 0 : i32
      %dma_wait3A_93 = tpu.memref_slice %arg14[%dma_wait3A_91, %dma_wait3A_92] : memref<128x128xf32, #tpu.memory_space<vmem>> -> memref<120x128xf32, #tpu.memory_space<vmem>>
      tpu.wait_dma2 semaphore(%run_scoped3A : memref<!tpu.dma_semaphore, #tpu.memory_space<semaphore_mem>>) src(%dma_wait3A_93 : memref<120x128xf32, #tpu.memory_space<vmem>>) dst(%dma_wait3A_90 : memref<120x128xf32, #tpu.memory_space<vmem_shared>>)
      tpu.yield
    }) : () -> ()
    %add3A_52 = arith.constant 256 : i32
    %add3A_53 = arith.addi %mul3A_2, %add3A_52 : i32
    %dma_wait3A_54 = tpu.memref_slice %arg3[%add3A_53] : memref<320000xi32, #tpu.memory_space<hbm>> -> memref<128xi32, #tpu.memory_space<hbm>>
    %dma_wait3A_55 = tpu.memref_slice %arg3[%add3A_53] : memref<320000xi32, #tpu.memory_space<hbm>> -> memref<128xi32, #tpu.memory_space<hbm>>
    tpu.wait_dma2 semaphore(%arg18 : memref<!tpu.dma_semaphore, #tpu.memory_space<semaphore_mem>>) src(%dma_wait3A_55 : memref<128xi32, #tpu.memory_space<hbm>>) dst(%arg8 : memref<128xi32, #tpu.memory_space<vmem>>)
    %dma_start3A_56 = arith.constant 0 : i32
    %dma_start3A_57 = arith.constant 0 : i32
    %dma_start3A_58 = tpu.memref_slice %arg2[%dma_start3A_56, %dma_start3A_57] : memref<10240x128xf32, #tpu.memory_space<hbm>> -> memref<10240x128xf32, #tpu.memory_space<hbm>>
    tpu.enqueue_indirect_dma source(%dma_start3A_58 : memref<10240x128xf32, #tpu.memory_space<hbm>>) target(%arg14 : memref<128x128xf32, #tpu.memory_space<vmem>>) offsets(%arg8 : memref<128xi32, #tpu.memory_space<vmem>>) semaphore(%arg24 : memref<!tpu.dma_semaphore, #tpu.memory_space<semaphore_mem>>)
    %barrier3A = arith.constant 0 : index
    tpu.barrier barrier_id(%barrier3A)
    %scan3A_59 = arith.constant 0 : i32
    %scan3A_60 = arith.constant 26 : i32
    %scan3A_61 = arith.addi %scan3A_59, %scan3A_60 : i32
    %scan3A_62 = arith.constant 1 : i32
    scf.for %scan3A_74 = %scan3A_59 to %scan3A_61 step %scan3A_62  : i32 {
      %mul3A_75 = arith.constant 1 : i32
      %mul3A_76 = arith.muli %scan3A_74, %mul3A_75 : i32
      %add3A_77 = arith.constant 0 : i32
      %add3A_78 = arith.addi %add3A_77, %mul3A_76 : i32
      %mul3A_79 = arith.constant 3 : i32
      %mul3A_80 = arith.muli %mul3A_79, %add3A_78 : i32
      %add3A_81 = arith.constant 0 : i32
      %add3A_82 = arith.addi %mul3A_80, %add3A_81 : i32
      %dma_wait3A_83 = arith.constant 0 : i32
      %dma_wait3A_84 = arith.constant 0 : i32
      %dma_wait3A_85 = tpu.memref_slice %arg2[%dma_wait3A_83, %dma_wait3A_84] : memref<10240x128xf32, #tpu.memory_space<hbm>> -> memref<10240x128xf32, #tpu.memory_space<hbm>>
      tpu.wait_indirect_dma semaphore(%arg22 : memref<!tpu.dma_semaphore, #tpu.memory_space<semaphore_mem>>) src(%dma_wait3A_85 : memref<10240x128xf32, #tpu.memory_space<hbm>>) dst(%arg12 : memref<128x128xf32, #tpu.memory_space<vmem>>)
      %lt3A_86 = arith.constant 75 : i32
      %lt3A_87 = arith.cmpi slt, %add3A_82, %lt3A_86 : i32
      %convert_element_type3A_88 = arith.extui %lt3A_87 : i1 to i32
      %cond3A_89 = arith.constant 0 : i32
      %cond3A_90 = arith.cmpi ne, %convert_element_type3A_88, %cond3A_89 : i32
      scf.if %cond3A_90 {
        %add3A_142 = arith.constant 3 : i32
        %add3A_143 = arith.addi %add3A_82, %add3A_142 : i32
        %mul3A_144 = arith.constant 128 : i32
        %mul3A_145 = arith.muli %add3A_143, %mul3A_144 : i32
        %add3A_146 = arith.addi %mul3A_2, %mul3A_145 : i32
        %dma_start3A_147 = tpu.memref_slice %arg3[%add3A_146] : memref<320000xi32, #tpu.memory_space<hbm>> -> memref<128xi32, #tpu.memory_space<hbm>>
        %dma_start3A_148 = tpu.memref_slice %arg3[%add3A_146] : memref<320000xi32, #tpu.memory_space<hbm>> -> memref<128xi32, #tpu.memory_space<hbm>>
        tpu.enqueue_dma source(%dma_start3A_148 : memref<128xi32, #tpu.memory_space<hbm>>) target(%arg6 : memref<128xi32, #tpu.memory_space<vmem>>) target_semaphore(%arg16 : memref<!tpu.dma_semaphore, #tpu.memory_space<semaphore_mem>>)
      } else {
      }
      %add3A_91 = arith.constant 0 : i32
      %add3A_92 = arith.addi %mul3A_2, %add3A_91 : i32
      %dma_wait3A_93 = tpu.memref_slice %arg4[%add3A_92] : memref<320000xi32, #tpu.memory_space<hbm>> -> memref<128xi32, #tpu.memory_space<hbm>>
      %dma_wait3A_94 = tpu.memref_slice %arg4[%add3A_92] : memref<320000xi32, #tpu.memory_space<hbm>> -> memref<128xi32, #tpu.memory_space<hbm>>
      tpu.wait_dma2 semaphore(%arg19 : memref<!tpu.dma_semaphore, #tpu.memory_space<semaphore_mem>>) src(%dma_wait3A_94 : memref<128xi32, #tpu.memory_space<hbm>>) dst(%arg9 : memref<128xi32, #tpu.memory_space<vmem>>)
      "tpu.region"() ({
        %run_scoped3A = tpu.sem_alloc : memref<!tpu.dma_semaphore, #tpu.memory_space<semaphore_mem>>
        %dma_start3A_142 = arith.constant 0 : i32
        %dma_start3A_143 = arith.constant 0 : i32
        %dma_start3A_144 = tpu.memref_slice %arg15[%dma_start3A_142, %dma_start3A_143] : memref<10112x128xf32, #tpu.memory_space<vmem_shared>> -> memref<10112x128xf32, #tpu.memory_space<vmem_shared>>
        tpu.enqueue_indirect_dma source(%arg12 : memref<128x128xf32, #tpu.memory_space<vmem>>) target(%dma_start3A_144 : memref<10112x128xf32, #tpu.memory_space<vmem_shared>>) offsets(%arg9 : memref<128xi32, #tpu.memory_space<vmem>>) semaphore(%run_scoped3A : memref<!tpu.dma_semaphore, #tpu.memory_space<semaphore_mem>>) {add = true}
        %dma_wait3A_145 = arith.constant 0 : i32
        %dma_wait3A_146 = arith.constant 0 : i32
        %dma_wait3A_147 = tpu.memref_slice %arg15[%dma_wait3A_145, %dma_wait3A_146] : memref<10112x128xf32, #tpu.memory_space<vmem_shared>> -> memref<10112x128xf32, #tpu.memory_space<vmem_shared>>
        tpu.wait_indirect_dma semaphore(%run_scoped3A : memref<!tpu.dma_semaphore, #tpu.memory_space<semaphore_mem>>) src(%arg12 : memref<128x128xf32, #tpu.memory_space<vmem>>) dst(%dma_wait3A_147 : memref<10112x128xf32, #tpu.memory_space<vmem_shared>>)
        tpu.yield
      }) : () -> ()
      %lt3A_95 = arith.constant 75 : i32
      %lt3A_96 = arith.cmpi slt, %add3A_82, %lt3A_95 : i32
      %convert_element_type3A_97 = arith.extui %lt3A_96 : i1 to i32
      %cond3A_98 = arith.constant 0 : i32
      %cond3A_99 = arith.cmpi ne, %convert_element_type3A_97, %cond3A_98 : i32
      scf.if %cond3A_99 {
        %add3A_142 = arith.constant 3 : i32
        %add3A_143 = arith.addi %add3A_82, %add3A_142 : i32
        %mul3A_144 = arith.constant 128 : i32
        %mul3A_145 = arith.muli %add3A_143, %mul3A_144 : i32
        %add3A_146 = arith.addi %mul3A_2, %mul3A_145 : i32
        %dma_start3A_147 = tpu.memref_slice %arg4[%add3A_146] : memref<320000xi32, #tpu.memory_space<hbm>> -> memref<128xi32, #tpu.memory_space<hbm>>
        %dma_start3A_148 = tpu.memref_slice %arg4[%add3A_146] : memref<320000xi32, #tpu.memory_space<hbm>> -> memref<128xi32, #tpu.memory_space<hbm>>
        tpu.enqueue_dma source(%dma_start3A_148 : memref<128xi32, #tpu.memory_space<hbm>>) target(%arg9 : memref<128xi32, #tpu.memory_space<vmem>>) target_semaphore(%arg19 : memref<!tpu.dma_semaphore, #tpu.memory_space<semaphore_mem>>)
        %add3A_149 = arith.constant 0 : i32
        %add3A_150 = arith.addi %mul3A_2, %add3A_149 : i32
        %dma_wait3A_151 = tpu.memref_slice %arg3[%add3A_150] : memref<320000xi32, #tpu.memory_space<hbm>> -> memref<128xi32, #tpu.memory_space<hbm>>
        %dma_wait3A_152 = tpu.memref_slice %arg3[%add3A_150] : memref<320000xi32, #tpu.memory_space<hbm>> -> memref<128xi32, #tpu.memory_space<hbm>>
        tpu.wait_dma2 semaphore(%arg16 : memref<!tpu.dma_semaphore, #tpu.memory_space<semaphore_mem>>) src(%dma_wait3A_152 : memref<128xi32, #tpu.memory_space<hbm>>) dst(%arg6 : memref<128xi32, #tpu.memory_space<vmem>>)
        %dma_start3A_153 = arith.constant 0 : i32
        %dma_start3A_154 = arith.constant 0 : i32
        %dma_start3A_155 = tpu.memref_slice %arg2[%dma_start3A_153, %dma_start3A_154] : memref<10240x128xf32, #tpu.memory_space<hbm>> -> memref<10240x128xf32, #tpu.memory_space<hbm>>
        tpu.enqueue_indirect_dma source(%dma_start3A_155 : memref<10240x128xf32, #tpu.memory_space<hbm>>) target(%arg12 : memref<128x128xf32, #tpu.memory_space<vmem>>) offsets(%arg6 : memref<128xi32, #tpu.memory_space<vmem>>) semaphore(%arg22 : memref<!tpu.dma_semaphore, #tpu.memory_space<semaphore_mem>>)
      } else {
      }
      %mul3A_100 = arith.constant 3 : i32
      %mul3A_101 = arith.muli %mul3A_100, %add3A_78 : i32
      %add3A_102 = arith.constant 1 : i32
      %add3A_103 = arith.addi %mul3A_101, %add3A_102 : i32
      %dma_wait3A_104 = arith.constant 0 : i32
      %dma_wait3A_105 = arith.constant 0 : i32
      %dma_wait3A_106 = tpu.memref_slice %arg2[%dma_wait3A_104, %dma_wait3A_105] : memref<10240x128xf32, #tpu.memory_space<hbm>> -> memref<10240x128xf32, #tpu.memory_space<hbm>>
      tpu.wait_indirect_dma semaphore(%arg23 : memref<!tpu.dma_semaphore, #tpu.memory_space<semaphore_mem>>) src(%dma_wait3A_106 : memref<10240x128xf32, #tpu.memory_space<hbm>>) dst(%arg13 : memref<128x128xf32, #tpu.memory_space<vmem>>)
      %lt3A_107 = arith.constant 75 : i32
      %lt3A_108 = arith.cmpi slt, %add3A_103, %lt3A_107 : i32
      %convert_element_type3A_109 = arith.extui %lt3A_108 : i1 to i32
      %cond3A_110 = arith.constant 0 : i32
      %cond3A_111 = arith.cmpi ne, %convert_element_type3A_109, %cond3A_110 : i32
      scf.if %cond3A_111 {
        %add3A_142 = arith.constant 3 : i32
        %add3A_143 = arith.addi %add3A_103, %add3A_142 : i32
        %mul3A_144 = arith.constant 128 : i32
        %mul3A_145 = arith.muli %add3A_143, %mul3A_144 : i32
        %add3A_146 = arith.addi %mul3A_2, %mul3A_145 : i32
        %dma_start3A_147 = tpu.memref_slice %arg3[%add3A_146] : memref<320000xi32, #tpu.memory_space<hbm>> -> memref<128xi32, #tpu.memory_space<hbm>>
        %dma_start3A_148 = tpu.memref_slice %arg3[%add3A_146] : memref<320000xi32, #tpu.memory_space<hbm>> -> memref<128xi32, #tpu.memory_space<hbm>>
        tpu.enqueue_dma source(%dma_start3A_148 : memref<128xi32, #tpu.memory_space<hbm>>) target(%arg7 : memref<128xi32, #tpu.memory_space<vmem>>) target_semaphore(%arg17 : memref<!tpu.dma_semaphore, #tpu.memory_space<semaphore_mem>>)
      } else {
      }
      %add3A_112 = arith.constant 0 : i32
      %add3A_113 = arith.addi %mul3A_2, %add3A_112 : i32
      %dma_wait3A_114 = tpu.memref_slice %arg4[%add3A_113] : memref<320000xi32, #tpu.memory_space<hbm>> -> memref<128xi32, #tpu.memory_space<hbm>>
      %dma_wait3A_115 = tpu.memref_slice %arg4[%add3A_113] : memref<320000xi32, #tpu.memory_space<hbm>> -> memref<128xi32, #tpu.memory_space<hbm>>
      tpu.wait_dma2 semaphore(%arg20 : memref<!tpu.dma_semaphore, #tpu.memory_space<semaphore_mem>>) src(%dma_wait3A_115 : memref<128xi32, #tpu.memory_space<hbm>>) dst(%arg10 : memref<128xi32, #tpu.memory_space<vmem>>)
      "tpu.region"() ({
        %run_scoped3A = tpu.sem_alloc : memref<!tpu.dma_semaphore, #tpu.memory_space<semaphore_mem>>
        %dma_start3A_142 = arith.constant 0 : i32
        %dma_start3A_143 = arith.constant 0 : i32
        %dma_start3A_144 = tpu.memref_slice %arg15[%dma_start3A_142, %dma_start3A_143] : memref<10112x128xf32, #tpu.memory_space<vmem_shared>> -> memref<10112x128xf32, #tpu.memory_space<vmem_shared>>
        tpu.enqueue_indirect_dma source(%arg13 : memref<128x128xf32, #tpu.memory_space<vmem>>) target(%dma_start3A_144 : memref<10112x128xf32, #tpu.memory_space<vmem_shared>>) offsets(%arg10 : memref<128xi32, #tpu.memory_space<vmem>>) semaphore(%run_scoped3A : memref<!tpu.dma_semaphore, #tpu.memory_space<semaphore_mem>>) {add = true}
        %dma_wait3A_145 = arith.constant 0 : i32
        %dma_wait3A_146 = arith.constant 0 : i32
        %dma_wait3A_147 = tpu.memref_slice %arg15[%dma_wait3A_145, %dma_wait3A_146] : memref<10112x128xf32, #tpu.memory_space<vmem_shared>> -> memref<10112x128xf32, #tpu.memory_space<vmem_shared>>
        tpu.wait_indirect_dma semaphore(%run_scoped3A : memref<!tpu.dma_semaphore, #tpu.memory_space<semaphore_mem>>) src(%arg13 : memref<128x128xf32, #tpu.memory_space<vmem>>) dst(%dma_wait3A_147 : memref<10112x128xf32, #tpu.memory_space<vmem_shared>>)
        tpu.yield
      }) : () -> ()
      %lt3A_116 = arith.constant 75 : i32
      %lt3A_117 = arith.cmpi slt, %add3A_103, %lt3A_116 : i32
      %convert_element_type3A_118 = arith.extui %lt3A_117 : i1 to i32
      %cond3A_119 = arith.constant 0 : i32
      %cond3A_120 = arith.cmpi ne, %convert_element_type3A_118, %cond3A_119 : i32
      scf.if %cond3A_120 {
        %add3A_142 = arith.constant 3 : i32
        %add3A_143 = arith.addi %add3A_103, %add3A_142 : i32
        %mul3A_144 = arith.constant 128 : i32
        %mul3A_145 = arith.muli %add3A_143, %mul3A_144 : i32
        %add3A_146 = arith.addi %mul3A_2, %mul3A_145 : i32
        %dma_start3A_147 = tpu.memref_slice %arg4[%add3A_146] : memref<320000xi32, #tpu.memory_space<hbm>> -> memref<128xi32, #tpu.memory_space<hbm>>
        %dma_start3A_148 = tpu.memref_slice %arg4[%add3A_146] : memref<320000xi32, #tpu.memory_space<hbm>> -> memref<128xi32, #tpu.memory_space<hbm>>
        tpu.enqueue_dma source(%dma_start3A_148 : memref<128xi32, #tpu.memory_space<hbm>>) target(%arg10 : memref<128xi32, #tpu.memory_space<vmem>>) target_semaphore(%arg20 : memref<!tpu.dma_semaphore, #tpu.memory_space<semaphore_mem>>)
        %add3A_149 = arith.constant 0 : i32
        %add3A_150 = arith.addi %mul3A_2, %add3A_149 : i32
        %dma_wait3A_151 = tpu.memref_slice %arg3[%add3A_150] : memref<320000xi32, #tpu.memory_space<hbm>> -> memref<128xi32, #tpu.memory_space<hbm>>
        %dma_wait3A_152 = tpu.memref_slice %arg3[%add3A_150] : memref<320000xi32, #tpu.memory_space<hbm>> -> memref<128xi32, #tpu.memory_space<hbm>>
        tpu.wait_dma2 semaphore(%arg17 : memref<!tpu.dma_semaphore, #tpu.memory_space<semaphore_mem>>) src(%dma_wait3A_152 : memref<128xi32, #tpu.memory_space<hbm>>) dst(%arg7 : memref<128xi32, #tpu.memory_space<vmem>>)
        %dma_start3A_153 = arith.constant 0 : i32
        %dma_start3A_154 = arith.constant 0 : i32
        %dma_start3A_155 = tpu.memref_slice %arg2[%dma_start3A_153, %dma_start3A_154] : memref<10240x128xf32, #tpu.memory_space<hbm>> -> memref<10240x128xf32, #tpu.memory_space<hbm>>
        tpu.enqueue_indirect_dma source(%dma_start3A_155 : memref<10240x128xf32, #tpu.memory_space<hbm>>) target(%arg13 : memref<128x128xf32, #tpu.memory_space<vmem>>) offsets(%arg7 : memref<128xi32, #tpu.memory_space<vmem>>) semaphore(%arg23 : memref<!tpu.dma_semaphore, #tpu.memory_space<semaphore_mem>>)
      } else {
      }
      %mul3A_121 = arith.constant 3 : i32
      %mul3A_122 = arith.muli %mul3A_121, %add3A_78 : i32
      %add3A_123 = arith.constant 2 : i32
      %add3A_124 = arith.addi %mul3A_122, %add3A_123 : i32
      %dma_wait3A_125 = arith.constant 0 : i32
      %dma_wait3A_126 = arith.constant 0 : i32
      %dma_wait3A_127 = tpu.memref_slice %arg2[%dma_wait3A_125, %dma_wait3A_126] : memref<10240x128xf32, #tpu.memory_space<hbm>> -> memref<10240x128xf32, #tpu.memory_space<hbm>>
      tpu.wait_indirect_dma semaphore(%arg24 : memref<!tpu.dma_semaphore, #tpu.memory_space<semaphore_mem>>) src(%dma_wait3A_127 : memref<10240x128xf32, #tpu.memory_space<hbm>>) dst(%arg14 : memref<128x128xf32, #tpu.memory_space<vmem>>)
      %lt3A_128 = arith.constant 75 : i32
      %lt3A_129 = arith.cmpi slt, %add3A_124, %lt3A_128 : i32
      %convert_element_type3A_130 = arith.extui %lt3A_129 : i1 to i32
      %cond3A_131 = arith.constant 0 : i32
      %cond3A_132 = arith.cmpi ne, %convert_element_type3A_130, %cond3A_131 : i32
      scf.if %cond3A_132 {
        %add3A_142 = arith.constant 3 : i32
        %add3A_143 = arith.addi %add3A_124, %add3A_142 : i32
        %mul3A_144 = arith.constant 128 : i32
        %mul3A_145 = arith.muli %add3A_143, %mul3A_144 : i32
        %add3A_146 = arith.addi %mul3A_2, %mul3A_145 : i32
        %dma_start3A_147 = tpu.memref_slice %arg3[%add3A_146] : memref<320000xi32, #tpu.memory_space<hbm>> -> memref<128xi32, #tpu.memory_space<hbm>>
        %dma_start3A_148 = tpu.memref_slice %arg3[%add3A_146] : memref<320000xi32, #tpu.memory_space<hbm>> -> memref<128xi32, #tpu.memory_space<hbm>>
        tpu.enqueue_dma source(%dma_start3A_148 : memref<128xi32, #tpu.memory_space<hbm>>) target(%arg8 : memref<128xi32, #tpu.memory_space<vmem>>) target_semaphore(%arg18 : memref<!tpu.dma_semaphore, #tpu.memory_space<semaphore_mem>>)
      } else {
      }
      %add3A_133 = arith.constant 0 : i32
      %add3A_134 = arith.addi %mul3A_2, %add3A_133 : i32
      %dma_wait3A_135 = tpu.memref_slice %arg4[%add3A_134] : memref<320000xi32, #tpu.memory_space<hbm>> -> memref<128xi32, #tpu.memory_space<hbm>>
      %dma_wait3A_136 = tpu.memref_slice %arg4[%add3A_134] : memref<320000xi32, #tpu.memory_space<hbm>> -> memref<128xi32, #tpu.memory_space<hbm>>
      tpu.wait_dma2 semaphore(%arg21 : memref<!tpu.dma_semaphore, #tpu.memory_space<semaphore_mem>>) src(%dma_wait3A_136 : memref<128xi32, #tpu.memory_space<hbm>>) dst(%arg11 : memref<128xi32, #tpu.memory_space<vmem>>)
      "tpu.region"() ({
        %run_scoped3A = tpu.sem_alloc : memref<!tpu.dma_semaphore, #tpu.memory_space<semaphore_mem>>
        %dma_start3A_142 = arith.constant 0 : i32
        %dma_start3A_143 = arith.constant 0 : i32
        %dma_start3A_144 = tpu.memref_slice %arg15[%dma_start3A_142, %dma_start3A_143] : memref<10112x128xf32, #tpu.memory_space<vmem_shared>> -> memref<10112x128xf32, #tpu.memory_space<vmem_shared>>
        tpu.enqueue_indirect_dma source(%arg14 : memref<128x128xf32, #tpu.memory_space<vmem>>) target(%dma_start3A_144 : memref<10112x128xf32, #tpu.memory_space<vmem_shared>>) offsets(%arg11 : memref<128xi32, #tpu.memory_space<vmem>>) semaphore(%run_scoped3A : memref<!tpu.dma_semaphore, #tpu.memory_space<semaphore_mem>>) {add = true}
        %dma_wait3A_145 = arith.constant 0 : i32
        %dma_wait3A_146 = arith.constant 0 : i32
        %dma_wait3A_147 = tpu.memref_slice %arg15[%dma_wait3A_145, %dma_wait3A_146] : memref<10112x128xf32, #tpu.memory_space<vmem_shared>> -> memref<10112x128xf32, #tpu.memory_space<vmem_shared>>
        tpu.wait_indirect_dma semaphore(%run_scoped3A : memref<!tpu.dma_semaphore, #tpu.memory_space<semaphore_mem>>) src(%arg14 : memref<128x128xf32, #tpu.memory_space<vmem>>) dst(%dma_wait3A_147 : memref<10112x128xf32, #tpu.memory_space<vmem_shared>>)
        tpu.yield
      }) : () -> ()
      %lt3A_137 = arith.constant 75 : i32
      %lt3A_138 = arith.cmpi slt, %add3A_124, %lt3A_137 : i32
      %convert_element_type3A_139 = arith.extui %lt3A_138 : i1 to i32
      %cond3A_140 = arith.constant 0 : i32
      %cond3A_141 = arith.cmpi ne, %convert_element_type3A_139, %cond3A_140 : i32
      scf.if %cond3A_141 {
        %add3A_142 = arith.constant 3 : i32
        %add3A_143 = arith.addi %add3A_124, %add3A_142 : i32
        %mul3A_144 = arith.constant 128 : i32
        %mul3A_145 = arith.muli %add3A_143, %mul3A_144 : i32
        %add3A_146 = arith.addi %mul3A_2, %mul3A_145 : i32
        %dma_start3A_147 = tpu.memref_slice %arg4[%add3A_146] : memref<320000xi32, #tpu.memory_space<hbm>> -> memref<128xi32, #tpu.memory_space<hbm>>
        %dma_start3A_148 = tpu.memref_slice %arg4[%add3A_146] : memref<320000xi32, #tpu.memory_space<hbm>> -> memref<128xi32, #tpu.memory_space<hbm>>
        tpu.enqueue_dma source(%dma_start3A_148 : memref<128xi32, #tpu.memory_space<hbm>>) target(%arg11 : memref<128xi32, #tpu.memory_space<vmem>>) target_semaphore(%arg21 : memref<!tpu.dma_semaphore, #tpu.memory_space<semaphore_mem>>)
        %add3A_149 = arith.constant 0 : i32
        %add3A_150 = arith.addi %mul3A_2, %add3A_149 : i32
        %dma_wait3A_151 = tpu.memref_slice %arg3[%add3A_150] : memref<320000xi32, #tpu.memory_space<hbm>> -> memref<128xi32, #tpu.memory_space<hbm>>
        %dma_wait3A_152 = tpu.memref_slice %arg3[%add3A_150] : memref<320000xi32, #tpu.memory_space<hbm>> -> memref<128xi32, #tpu.memory_space<hbm>>
        tpu.wait_dma2 semaphore(%arg18 : memref<!tpu.dma_semaphore, #tpu.memory_space<semaphore_mem>>) src(%dma_wait3A_152 : memref<128xi32, #tpu.memory_space<hbm>>) dst(%arg8 : memref<128xi32, #tpu.memory_space<vmem>>)
        %dma_start3A_153 = arith.constant 0 : i32
        %dma_start3A_154 = arith.constant 0 : i32
        %dma_start3A_155 = tpu.memref_slice %arg2[%dma_start3A_153, %dma_start3A_154] : memref<10240x128xf32, #tpu.memory_space<hbm>> -> memref<10240x128xf32, #tpu.memory_space<hbm>>
        tpu.enqueue_indirect_dma source(%dma_start3A_155 : memref<10240x128xf32, #tpu.memory_space<hbm>>) target(%arg14 : memref<128x128xf32, #tpu.memory_space<vmem>>) offsets(%arg8 : memref<128xi32, #tpu.memory_space<vmem>>) semaphore(%arg24 : memref<!tpu.dma_semaphore, #tpu.memory_space<semaphore_mem>>)
      } else {
      }
    }
    %scan3A_63 = arith.constant 26 : i32
    %mul3A_64 = arith.constant 2 : i32
    %mul3A_65 = arith.muli %arg1, %mul3A_64 : i32
    %add3A_66 = arith.addi %mul3A_65, %arg0 : i32
    %lt3A = arith.constant 4 : i32
    %lt3A_67 = arith.cmpi slt, %add3A_66, %lt3A : i32
    %convert_element_type3A = arith.extui %lt3A_67 : i1 to i32
    %cond3A = arith.constant 0 : i32
    %cond3A_68 = arith.cmpi ne, %convert_element_type3A, %cond3A : i32
    scf.if %cond3A_68 {
      %add3A_74 = arith.constant 2496 : i32
      %add3A_75 = arith.addi %add3A_74, %add3A_66 : i32
      %mul3A_76 = arith.constant 128 : i32
      %mul3A_77 = arith.muli %add3A_75, %mul3A_76 : i32
      "tpu.region"() ({
        %run_scoped3A = tpu.sem_alloc : memref<!tpu.dma_semaphore, #tpu.memory_space<semaphore_mem>>
        %dma_start3A_84 = tpu.memref_slice %arg3[%mul3A_77] : memref<320000xi32, #tpu.memory_space<hbm>> -> memref<128xi32, #tpu.memory_space<hbm>>
        %dma_start3A_85 = tpu.memref_slice %arg3[%mul3A_77] : memref<320000xi32, #tpu.memory_space<hbm>> -> memref<128xi32, #tpu.memory_space<hbm>>
        tpu.enqueue_dma source(%dma_start3A_85 : memref<128xi32, #tpu.memory_space<hbm>>) target(%arg6 : memref<128xi32, #tpu.memory_space<vmem>>) target_semaphore(%run_scoped3A : memref<!tpu.dma_semaphore, #tpu.memory_space<semaphore_mem>>)
        %dma_wait3A_86 = tpu.memref_slice %arg3[%mul3A_77] : memref<320000xi32, #tpu.memory_space<hbm>> -> memref<128xi32, #tpu.memory_space<hbm>>
        %dma_wait3A_87 = tpu.memref_slice %arg3[%mul3A_77] : memref<320000xi32, #tpu.memory_space<hbm>> -> memref<128xi32, #tpu.memory_space<hbm>>
        tpu.wait_dma2 semaphore(%run_scoped3A : memref<!tpu.dma_semaphore, #tpu.memory_space<semaphore_mem>>) src(%dma_wait3A_87 : memref<128xi32, #tpu.memory_space<hbm>>) dst(%arg6 : memref<128xi32, #tpu.memory_space<vmem>>)
        tpu.yield
      }) : () -> ()
      "tpu.region"() ({
        %run_scoped3A = tpu.sem_alloc : memref<!tpu.dma_semaphore, #tpu.memory_space<semaphore_mem>>
        %dma_start3A_84 = tpu.memref_slice %arg4[%mul3A_77] : memref<320000xi32, #tpu.memory_space<hbm>> -> memref<128xi32, #tpu.memory_space<hbm>>
        %dma_start3A_85 = tpu.memref_slice %arg4[%mul3A_77] : memref<320000xi32, #tpu.memory_space<hbm>> -> memref<128xi32, #tpu.memory_space<hbm>>
        tpu.enqueue_dma source(%dma_start3A_85 : memref<128xi32, #tpu.memory_space<hbm>>) target(%arg9 : memref<128xi32, #tpu.memory_space<vmem>>) target_semaphore(%run_scoped3A : memref<!tpu.dma_semaphore, #tpu.memory_space<semaphore_mem>>)
        %dma_wait3A_86 = tpu.memref_slice %arg4[%mul3A_77] : memref<320000xi32, #tpu.memory_space<hbm>> -> memref<128xi32, #tpu.memory_space<hbm>>
        %dma_wait3A_87 = tpu.memref_slice %arg4[%mul3A_77] : memref<320000xi32, #tpu.memory_space<hbm>> -> memref<128xi32, #tpu.memory_space<hbm>>
        tpu.wait_dma2 semaphore(%run_scoped3A : memref<!tpu.dma_semaphore, #tpu.memory_space<semaphore_mem>>) src(%dma_wait3A_87 : memref<128xi32, #tpu.memory_space<hbm>>) dst(%arg9 : memref<128xi32, #tpu.memory_space<vmem>>)
        tpu.yield
      }) : () -> ()
      %dma_start3A_78 = arith.constant 0 : i32
      %dma_start3A_79 = arith.constant 0 : i32
      %dma_start3A_80 = tpu.memref_slice %arg2[%dma_start3A_78, %dma_start3A_79] : memref<10240x128xf32, #tpu.memory_space<hbm>> -> memref<10240x128xf32, #tpu.memory_space<hbm>>
      tpu.enqueue_indirect_dma source(%dma_start3A_80 : memref<10240x128xf32, #tpu.memory_space<hbm>>) target(%arg12 : memref<128x128xf32, #tpu.memory_space<vmem>>) offsets(%arg6 : memref<128xi32, #tpu.memory_space<vmem>>) semaphore(%arg22 : memref<!tpu.dma_semaphore, #tpu.memory_space<semaphore_mem>>)
      %dma_wait3A_81 = arith.constant 0 : i32
      %dma_wait3A_82 = arith.constant 0 : i32
      %dma_wait3A_83 = tpu.memref_slice %arg2[%dma_wait3A_81, %dma_wait3A_82] : memref<10240x128xf32, #tpu.memory_space<hbm>> -> memref<10240x128xf32, #tpu.memory_space<hbm>>
      tpu.wait_indirect_dma semaphore(%arg22 : memref<!tpu.dma_semaphore, #tpu.memory_space<semaphore_mem>>) src(%dma_wait3A_83 : memref<10240x128xf32, #tpu.memory_space<hbm>>) dst(%arg12 : memref<128x128xf32, #tpu.memory_space<vmem>>)
      "tpu.region"() ({
        %run_scoped3A = tpu.sem_alloc : memref<!tpu.dma_semaphore, #tpu.memory_space<semaphore_mem>>
        %dma_start3A_84 = arith.constant 0 : i32
        %dma_start3A_85 = arith.constant 0 : i32
        %dma_start3A_86 = tpu.memref_slice %arg15[%dma_start3A_84, %dma_start3A_85] : memref<10112x128xf32, #tpu.memory_space<vmem_shared>> -> memref<10112x128xf32, #tpu.memory_space<vmem_shared>>
        tpu.enqueue_indirect_dma source(%arg12 : memref<128x128xf32, #tpu.memory_space<vmem>>) target(%dma_start3A_86 : memref<10112x128xf32, #tpu.memory_space<vmem_shared>>) offsets(%arg9 : memref<128xi32, #tpu.memory_space<vmem>>) semaphore(%run_scoped3A : memref<!tpu.dma_semaphore, #tpu.memory_space<semaphore_mem>>) {add = true}
        %dma_wait3A_87 = arith.constant 0 : i32
        %dma_wait3A_88 = arith.constant 0 : i32
        %dma_wait3A_89 = tpu.memref_slice %arg15[%dma_wait3A_87, %dma_wait3A_88] : memref<10112x128xf32, #tpu.memory_space<vmem_shared>> -> memref<10112x128xf32, #tpu.memory_space<vmem_shared>>
        tpu.wait_indirect_dma semaphore(%run_scoped3A : memref<!tpu.dma_semaphore, #tpu.memory_space<semaphore_mem>>) src(%arg12 : memref<128x128xf32, #tpu.memory_space<vmem>>) dst(%dma_wait3A_89 : memref<10112x128xf32, #tpu.memory_space<vmem_shared>>)
        tpu.yield
      }) : () -> ()
    } else {
    }
    %barrier3A_69 = arith.constant 0 : index
    tpu.barrier barrier_id(%barrier3A_69)
    %mul3A_70 = arith.constant 632 : i32
    %mul3A_71 = arith.muli %arg1, %mul3A_70 : i32
    %mul3A_72 = arith.constant 632 : i32
    %mul3A_73 = arith.muli %arg1, %mul3A_72 : i32
    "tpu.region"() ({
      %run_scoped3A = tpu.sem_alloc : memref<!tpu.dma_semaphore, #tpu.memory_space<semaphore_mem>>
      %dma_start3A_74 = arith.constant 0 : i32
      %dma_start3A_75 = tpu.memref_slice %arg5[%arg0, %mul3A_73, %dma_start3A_74] : memref<2x10112x128xf32, #tpu.memory_space<hbm>> -> memref<1x632x128xf32, #tpu.memory_space<hbm>>
      %dma_start3A_76 = tpu.memref_squeeze %dma_start3A_75 : memref<1x632x128xf32, #tpu.memory_space<hbm>> -> memref<632x128xf32, #tpu.memory_space<hbm>>
      %dma_start3A_77 = arith.constant 0 : i32
      %dma_start3A_78 = tpu.memref_slice %arg15[%mul3A_71, %dma_start3A_77] : memref<10112x128xf32, #tpu.memory_space<vmem_shared>> -> memref<632x128xf32, #tpu.memory_space<vmem_shared>>
      tpu.enqueue_dma source(%dma_start3A_78 : memref<632x128xf32, #tpu.memory_space<vmem_shared>>) target(%dma_start3A_76 : memref<632x128xf32, #tpu.memory_space<hbm>>) target_semaphore(%run_scoped3A : memref<!tpu.dma_semaphore, #tpu.memory_space<semaphore_mem>>)
      %dma_wait3A_79 = arith.constant 0 : i32
      %dma_wait3A_80 = tpu.memref_slice %arg5[%arg0, %mul3A_73, %dma_wait3A_79] : memref<2x10112x128xf32, #tpu.memory_space<hbm>> -> memref<1x632x128xf32, #tpu.memory_space<hbm>>
      %dma_wait3A_81 = tpu.memref_squeeze %dma_wait3A_80 : memref<1x632x128xf32, #tpu.memory_space<hbm>> -> memref<632x128xf32, #tpu.memory_space<hbm>>
      %dma_wait3A_82 = arith.constant 0 : i32
      %dma_wait3A_83 = tpu.memref_slice %arg15[%mul3A_71, %dma_wait3A_82] : memref<10112x128xf32, #tpu.memory_space<vmem_shared>> -> memref<632x128xf32, #tpu.memory_space<vmem_shared>>
      tpu.wait_dma2 semaphore(%run_scoped3A : memref<!tpu.dma_semaphore, #tpu.memory_space<semaphore_mem>>) src(%dma_wait3A_83 : memref<632x128xf32, #tpu.memory_space<vmem_shared>>) dst(%dma_wait3A_81 : memref<632x128xf32, #tpu.memory_space<hbm>>)
      tpu.yield
    }) : () -> ()
    return
  }
}

module attributes {stable_mosaic.version = 14 : i64} {
  func.func @body(%arg0: memref<10000x128xf32, #tpu.memory_space<vmem>>, %arg1: memref<128x128xf32, #tpu.memory_space<vmem>>, %arg2: memref<128x128xf32, #tpu.memory_space<vmem>>, %arg3: memref<10240x1xf32, #tpu.memory_space<vmem>>, %arg4: memref<10240x128xf32, #tpu.memory_space<vmem>>) attributes {dimension_semantics = [], scalar_prefetch = 0 : i64, scratch_operands = 0 : i64, tpu.core_type = #tpu.core_type<tc>} {
    %get3A = arith.constant 0 : index
    %get3A_0 = arith.constant 0 : index
    %get3A_1 = vector.load %arg2[%get3A, %get3A_0] : memref<128x128xf32, #tpu.memory_space<vmem>>, vector<128x128xf32>
    %get3A_2 = arith.constant 0 : index
    %get3A_3 = arith.constant 0 : index
    %get3A_4 = vector.load %arg1[%get3A_2, %get3A_3] : memref<128x128xf32, #tpu.memory_space<vmem>>, vector<128x128xf32>
    %dot_general3A = arith.constant dense<0.000000e+00> : vector<128x128xf32>
    %dot_general3A_5 = tpu.matmul %get3A_1, %get3A_4, %dot_general3A {dimension_numbers = #tpu.dot_dimension_numbers<[1], [0], [0], [1], [0, 0, 1, 1], [], []>, transpose_lhs_hint = false} : vector<128x128xf32>, vector<128x128xf32>, vector<128x128xf32> -> vector<128x128xf32>
    %get3A_6 = arith.constant 0 : index
    %get3A_7 = arith.constant 0 : index
    %get3A_8 = vector.load %arg0[%get3A_6, %get3A_7] : memref<10000x128xf32, #tpu.memory_space<vmem>>, vector<10000x128xf32>
    %dot_general3A_9 = arith.constant dense<0.000000e+00> : vector<10000x128xf32>
    %dot_general3A_10 = tpu.matmul %get3A_8, %dot_general3A_5, %dot_general3A_9 {dimension_numbers = #tpu.dot_dimension_numbers<[1], [1], [0], [0], [0, 0, 1, 0], [], []>, transpose_lhs_hint = false} : vector<10000x128xf32>, vector<128x128xf32>, vector<10000x128xf32> -> vector<10000x128xf32>
    %get3A_11 = arith.constant 0 : index
    %get3A_12 = arith.constant 0 : index
    %get3A_13 = vector.load %arg3[%get3A_11, %get3A_12] : memref<10240x1xf32, #tpu.memory_space<vmem>>, vector<10000x1xf32>
    %add3A = arith.constant 1.000000e+00 : f32
    %add3A_14 = vector.broadcast %add3A : f32 to vector<10000x1xf32>
    %add3A_15 = arith.addf %get3A_13, %add3A_14 : vector<10000x1xf32>
    %rsqrt3A = math.rsqrt %add3A_15 : vector<10000x1xf32>
    %mul3A = vector.broadcast %rsqrt3A : vector<10000x1xf32> to vector<10000x128xf32>
    %mul3A_16 = arith.mulf %dot_general3A_10, %mul3A : vector<10000x128xf32>
    %swap3A = arith.constant 0 : index
    %swap3A_17 = arith.constant 0 : index
    %swap3A_18 = vector.load %arg4[%swap3A, %swap3A_17] : memref<10240x128xf32, #tpu.memory_space<vmem>>, vector<10000x128xf32>
    tpu.vector_store %arg4[%swap3A, %swap3A_17], %mul3A_16 {strides = array<i32>} : memref<10240x128xf32, #tpu.memory_space<vmem>>, vector<10000x128xf32>,
    %broadcast_in_dim3A = arith.constant 0.000000e+00 : f32
    %broadcast_in_dim3A_19 = vector.broadcast %broadcast_in_dim3A : f32 to vector<240x128xf32>
    %swap3A_20 = arith.constant 10000 : index
    %swap3A_21 = arith.constant 0 : index
    %swap3A_22 = vector.load %arg4[%swap3A_20, %swap3A_21] : memref<10240x128xf32, #tpu.memory_space<vmem>>, vector<240x128xf32>
    tpu.vector_store %arg4[%swap3A_20, %swap3A_21], %broadcast_in_dim3A_19 {strides = array<i32>} : memref<10240x128xf32, #tpu.memory_space<vmem>>, vector<240x128xf32>,
    return
  }
}

module attributes {stable_mosaic.version = 14 : i64} {
  func.func @body(%arg0: memref<2x10112x128xf32, #tpu.memory_space<vmem>>, %arg1: memref<10240x128xf32, #tpu.memory_space<vmem>>, %arg2: memref<10240x1xf32, #tpu.memory_space<vmem>>, %arg3: memref<1x128xf32, #tpu.memory_space<vmem>>, %arg4: memref<10000x128xf32, #tpu.memory_space<vmem>>) attributes {dimension_semantics = [], scalar_prefetch = 0 : i64, scratch_operands = 0 : i64, tpu.core_type = #tpu.core_type<tc>} {
    %get3A = arith.constant 0 : index
    %get3A_0 = arith.constant 0 : index
    %get3A_1 = arith.constant 0 : index
    %get3A_2 = vector.load %arg0[%get3A, %get3A_0, %get3A_1] : memref<2x10112x128xf32, #tpu.memory_space<vmem>>, vector<1x10000x128xf32>
    %get3A_3 = vector.shape_cast %get3A_2 : vector<1x10000x128xf32> to vector<10000x128xf32>
    %get3A_4 = arith.constant 1 : index
    %get3A_5 = arith.constant 0 : index
    %get3A_6 = arith.constant 0 : index
    %get3A_7 = vector.load %arg0[%get3A_4, %get3A_5, %get3A_6] : memref<2x10112x128xf32, #tpu.memory_space<vmem>>, vector<1x10000x128xf32>
    %get3A_8 = vector.shape_cast %get3A_7 : vector<1x10000x128xf32> to vector<10000x128xf32>
    %add3A = arith.addf %get3A_3, %get3A_8 : vector<10000x128xf32>
    %get3A_9 = arith.constant 0 : index
    %get3A_10 = arith.constant 0 : index
    %get3A_11 = vector.load %arg1[%get3A_9, %get3A_10] : memref<10240x128xf32, #tpu.memory_space<vmem>>, vector<10000x128xf32>
    %add3A_12 = arith.addf %add3A, %get3A_11 : vector<10000x128xf32>
    %get3A_13 = arith.constant 0 : index
    %get3A_14 = arith.constant 0 : index
    %get3A_15 = vector.load %arg2[%get3A_13, %get3A_14] : memref<10240x1xf32, #tpu.memory_space<vmem>>, vector<10000x1xf32>
    %add3A_16 = arith.constant 1.000000e+00 : f32
    %add3A_17 = vector.broadcast %add3A_16 : f32 to vector<10000x1xf32>
    %add3A_18 = arith.addf %get3A_15, %add3A_17 : vector<10000x1xf32>
    %rsqrt3A = math.rsqrt %add3A_18 : vector<10000x1xf32>
    %mul3A = vector.broadcast %rsqrt3A : vector<10000x1xf32> to vector<10000x128xf32>
    %mul3A_19 = arith.mulf %add3A_12, %mul3A : vector<10000x128xf32>
    %get3A_20 = arith.constant 0 : index
    %get3A_21 = arith.constant 0 : index
    %get3A_22 = vector.load %arg3[%get3A_20, %get3A_21] : memref<1x128xf32, #tpu.memory_space<vmem>>, vector<1x128xf32>
    %add3A_23 = vector.broadcast %get3A_22 : vector<1x128xf32> to vector<10000x128xf32>
    %add3A_24 = arith.addf %mul3A_19, %add3A_23 : vector<10000x128xf32>
    %mul3A_25 = arith.mulf %add3A_24, %add3A_24 : vector<10000x128xf32>
    %reduce_sum3A = arith.constant dense<0.000000e+00> : vector<10000xf32>
    %reduce_sum3A_26 = vector.multi_reduction <add>, %mul3A_25, %reduce_sum3A [1] : vector<10000x128xf32> to vector<10000xf32>
    %broadcast_in_dim3A = vector.shape_cast %reduce_sum3A_26 : vector<10000xf32> to vector<10000x1xf32>
    %sqrt3A = math.sqrt %broadcast_in_dim3A : vector<10000x1xf32>
    %max3A = arith.constant 9.99999996E-13 : f32
    %max3A_27 = vector.broadcast %max3A : f32 to vector<10000x1xf32>
    %max3A_28 = arith.maximumf %sqrt3A, %max3A_27 : vector<10000x1xf32>
    %div3A = vector.broadcast %max3A_28 : vector<10000x1xf32> to vector<10000x128xf32>
    %div3A_29 = arith.divf %add3A_24, %div3A : vector<10000x128xf32>
    %swap3A = arith.constant 0 : index
    %swap3A_30 = arith.constant 0 : index
    %swap3A_31 = vector.load %arg4[%swap3A, %swap3A_30] : memref<10000x128xf32, #tpu.memory_space<vmem>>, vector<10000x128xf32>
    tpu.vector_store %arg4[%swap3A, %swap3A_30], %div3A_29 {strides = array<i32>} : memref<10000x128xf32, #tpu.memory_space<vmem>>, vector<10000x128xf32>,
    return
  }
}

</mosaic_0001>

<sc_bundles>
// kernel: kernel.6.cloned.1.call-start
scs
__scs_entry_jumppad:
0x0: {  	(pc) =	sbr.rel $0x88, $3  }
0x1: {  	(tag) =	ssettag $0x0;
	lr =	simm.s32 $0x1  }
0x2: {  	[smem:$0x3F9C] =	sst lr;
	_ =	strace $0xD0000000  }
0x3: {  	_ = 	snop  }
0x4: {  	_ = 	snop  }
0x5: {  	_ = 	snop  }
0x6: {  	_ = 	snop  }
0x7: {  	_ = 	snop  }
__scs_overlays_trampoline_lowered:
0x8: {  	[smem:$0x3FAB] =	sst s0  }
0x9: {  	[smem:$0x3FAC] =	sst s1  }
0xa: {  	[smem:$0x3FAD] =	sst s2  }
0xb: {  	[smem:$0x3FAE] =	sst s3  }
0xc: {  	[smem:$0x3FAF] =	sst s4  }
0xd: {  	[smem:$0x3FB0] =	sst s5  }
0xe: {  	[smem:$0x3FB1] =	sst s6  }
0xf: {  	[smem:$0x3FB2] =	sst s7  }
0x10: {  	[smem:$0x3FB3] =	sst s8  }
0x11: {  	[smem:$0x3FB4] =	sst s9;
	s0 =	simm.s32 @!p0 $0x0  }
0x12: {  	s1 =	sld [smem:$0x3F9A];
	s0 =	simm.s32 @p0 $0x1  }
0x13: {  	[smem:$0x3FB5] =	sst s0;
	s0 =	simm.s32 @!p1 $0x0  }
0x14: {  	s2 =	sld [smem:$0x3F99];
	s0 =	simm.s32 @p1 $0x1  }
0x15: {  	[smem:$0x3FB6] =	sst s0;
	s0 =	simm.s32 @!p2 $0x0  }
0x16: {  	s3 =	sld [smem:$0x3FDB];
	s0 =	simm.s32 @p2 $0x1  }
0x17: {  	s4 =	simm.s32 $0x1BF5;
	[smem:$0x3FB8] =	sst s0  }
0x18: {  	s0 =	sld [smem:$0x3F9B];
	_ =	swait.ge [sflag:s4], $0x0  }
0x19: {  	s7 =	sld [smem:$0x3F9C]  }
0x1a: {  	s8 =	sadd.s32 $0xFFFFE003, lr  }
0x1b: {  	s9 =	sadd.s32 $0xFFFFFEF7, lr;
	s5 =	simm.s32 $0xFFFFFFFF;
	p2 =	slt.u32 s8, $0xFFFFF086  }
0x1c: {  	p1 =	slt.u32 s9, $0xF7A;
	s5 =	simm.s32 @!p2 $0x0  }
0x1d: {  	s5 =	simm.s32 @p1 $0x1;
	p0 =	seq.s32 s7, s2  }
0x1e: {  	s7 =	smul.u32 @!p0 $0xF7A, s2;
	p2 =	seq.s32 @!p0 s5, $0x0  }
0x1f: {  	s9 =	smul.u32 $0xF7A, s1;
	s8 =	simm.s32 @!p0 $0x1BF5;
	p2 =	por !p2, p0  }
0x20: {  	[sflag:s8] =	ssyncset.s32 @!p0 $0xFFFFF086;
	s6 =	sadd.s32 @!p0 s3, s7;
	s7 =	simm.s32 @!p0 $0x108  }
0x21: {  	s3 =	sadd.s32 s3, s9;
	s6 =	sadd.s32 @!p0 $0x88, s6;
	s7 =	simm.s32 @p2 $0x1082  }
0x22: {  	[simem:s7], [sflag:s8] =	dma.local @!p0 [hbm:s6], $0xF7A  }
0x23: {  	s9 =	sor.u32 $0xD0000000, s2;
	s6 =	simm.s32 $0x108;
	_ =	swait.ge @!p0 [sflag:s8], $0x0  }
0x24: {  	s3 =	sadd.s32 $0x88, s3;
	s6 =	simm.s32 @!p1 $0x1082;
	[sflag:s4] =	ssyncset.s32 $0xFFFFF086  }
0x25: {  	[simem:s6], [sflag:s4] =	dma.local [hbm:s3], $0xF7A  }
0x26: {  	[smem:$0x3F9C] =	sst s1;
	(tag) =	ssettag s2;
	_ =	strace s9  }
0x27: {  	s1 =	sld [smem:$0x3FAC]  }
0x28: {  	s2 =	sld [smem:$0x3FAD]  }
0x29: {  	s4 =	sld [smem:$0x3FAF]  }
0x2a: {  	p0 =	seq.s32 s5, $0x0;
	s5 =	sld [smem:$0x3FB0]  }
0x2b: {  	s6 =	sld [smem:$0x3FB1]  }
0x2c: {  	s7 =	sld [smem:$0x3FB2]  }
0x2d: {  	s3 =	simm.s32 $0x108;
	s8 =	sld [smem:$0x3FB3]  }
0x2e: {  	s3 =	simm.s32 @!p0 $0x1082;
	s9 =	sld [smem:$0x3FB4]  }
0x2f: {  	lr =	sadd.s32 s0, s3;
	s0 =	sld [smem:$0x3FAB]  }
0x30: {  	s3 =	sld [smem:$0x3FAE]  }
0x31: {  	[smem:$0x3FB7] =	sst s10  }
0x32: {  	s10 =	sld [smem:$0x3FB5];
	_ =	sdelay $0x3  }
0x33: {  	p0 =	seq.s32 s10, $0x1;
	s10 =	sld [smem:$0x3FB7];
	_ =	sdelay $0x3  }
0x34: {  	[smem:$0x3FB7] =	sst s10  }
0x35: {  	s10 =	sld [smem:$0x3FB6];
	_ =	sdelay $0x3  }
0x36: {  	p1 =	seq.s32 s10, $0x1;
	s10 =	sld [smem:$0x3FB7];
	_ =	sdelay $0x3  }
0x37: {  	[smem:$0x3FB7] =	sst s10  }
0x38: {  	s10 =	sld [smem:$0x3FB8]  }
0x39: {  	_ = 	snop;
	(pc) =	sbr.ind lr, $3  }
0x3a: {  	_ = 	snop  }
0x3b: {  	_ = 	snop  }
0x3c: {  	p2 =	seq.s32 s10, $0x1;
	s10 =	sld [smem:$0x3FB7]  }
0x3d: {  	_ =	shalt  }
0x3e: {  	_ =	shalt  }
0x3f: {  	_ =	shalt  }
0x40: {  	_ =	shalt  }
0x41: {  	_ =	shalt  }
0x42: {  	_ =	shalt  }
0x43: {  	_ =	shalt  }
0x44: {  	_ =	shalt  }
0x45: {  	_ =	shalt  }
0x46: {  	_ =	shalt  }
0x47: {  	_ =	shalt  }
0x48: {  	_ =	shalt  }
0x49: {  	_ =	shalt  }
0x4a: {  	_ =	shalt  }
0x4b: {  	_ =	shalt  }
0x4c: {  	_ =	shalt  }
0x4d: {  	_ =	shalt  }
0x4e: {  	_ =	shalt  }
0x4f: {  	_ =	shalt  }
0x50: {  	_ =	shalt  }
0x51: {  	_ =	shalt  }
0x52: {  	_ =	shalt  }
0x53: {  	_ =	shalt  }
0x54: {  	_ =	shalt  }
0x55: {  	_ =	shalt  }
0x56: {  	_ =	shalt  }
0x57: {  	_ =	shalt  }
0x58: {  	_ =	shalt  }
0x59: {  	_ =	shalt  }
0x5a: {  	_ =	shalt  }
0x5b: {  	_ =	shalt  }
0x5c: {  	_ =	shalt  }
0x5d: {  	_ =	shalt  }
0x5e: {  	_ =	shalt  }
0x5f: {  	_ =	shalt  }
0x60: {  	_ =	shalt  }
0x61: {  	_ =	shalt  }
0x62: {  	_ =	shalt  }
0x63: {  	_ =	shalt  }
0x64: {  	_ =	shalt  }
0x65: {  	_ =	shalt  }
0x66: {  	_ =	shalt  }
0x67: {  	_ =	shalt  }
0x68: {  	_ =	shalt  }
0x69: {  	_ =	shalt  }
0x6a: {  	_ =	shalt  }
0x6b: {  	_ =	shalt  }
0x6c: {  	_ =	shalt  }
0x6d: {  	_ =	shalt  }
0x6e: {  	_ =	shalt  }
0x6f: {  	_ =	shalt  }
0x70: {  	_ =	shalt  }
0x71: {  	_ =	shalt  }
0x72: {  	_ =	shalt  }
0x73: {  	_ =	shalt  }
0x74: {  	_ =	shalt  }
0x75: {  	_ =	shalt  }
0x76: {  	_ =	shalt  }
0x77: {  	_ =	shalt  }
0x78: {  	_ =	shalt  }
0x79: {  	_ =	shalt  }
0x7a: {  	_ =	shalt  }
0x7b: {  	_ =	shalt  }
0x7c: {  	_ =	shalt  }
0x7d: {  	_ =	shalt  }
0x7e: {  	_ =	shalt  }
0x7f: {  	_ =	shalt  }
0x80: {  	_ =	shalt  }
0x81: {  	_ =	shalt  }
0x82: {  	_ =	shalt  }
0x83: {  	_ =	shalt  }
0x84: {  	_ =	shalt  }
0x85: {  	_ =	shalt  }
0x86: {  	_ =	shalt  }
0x87: {  	_ =	shalt  }
.Lfunc_end0:
.L_simem_size_0:
called_computation_lowered:
.L_overlay_start_0:
0x88: {  	s2 =	sld [smem:$0x3FD9]  }
0x89: {  	s3 =	sld [smem:$0x3FFE];
	_ =	sdelay $0x1  }
0x8a: {  	s1 =	srdreg.scid  }
0x8b: {  	s0 =	sand.u32 $0x1, s1  }
0x8c: {  	s16 =	sshll.u32 s0, $0xA;
	s2 =	sadd.s32 s3, s2  }
0x8d: {  	s2 =	sadd.s32 s2, s16  }
0x8e: {  	[smem:$0x3FC3] =	sst s2  }
0x8f: {  	_ = 	snop  }
0x90: {  	(tm) =	ssettm $0x1  }
0x91: {  	s17 =	sld [smem:$0x3FFB];
	_ =	sdelay $0x3  }
0x92: {  	_ =	strace s17  }
0x93: {  	s2 =	sld [smem:$0x3FFC];
	_ =	sdelay $0x3  }
0x94: {  	_ =	strace s2  }
0x95: {  	s2 =	sld [smem:$0x3FFD];
	_ =	sdelay $0x3  }
0x96: {  	_ =	strace s2  }
0x97: {  	_ =	strace $0x8FFFFFFF  }
0x98: {  	s18 =	sld [smem:$0x3FDB];
	_ =	sdelay $0x1  }
0x99: {  	s19 =	simm.s32 $_scs_section_size  }
0x9a: {  	s4 =	simm.s32 $_size__tile_overlayer_lowered;
	s5 =	simm.s32 $_tile_overlayer_lowered  }
0x9b: {  	s22 =	simm.s32 $0x1BFF;
	s21 =	sshll.u32 s5, $0x1;
	s2 =	sadd.s32 s19, s18  }
0x9c: {  	s6 =	simm.s32 $0x0;
	s20 =	sshll.u32 s4, $0x1;
	s4 =	sadd.s32 s21, s2  }
0x9d: {  	[timem:s6], [sflag:s22] =	dma.local [hbm:s4], s20  }
0x9e: {  	_ =	swait.ge [sflag:s22], s20  }
0x9f: {  	s3 =	ssub.s32 $0x0, s20;
	[sflag:s22] =	ssyncset.done $0x0  }
0xa0: {  	[sflag:s22] =	ssyncadd.s32 s3;
	_ =	sdelay $0x1  }
0xa1: {  	s23 =	simm.s32 $0x1B8B  }
0xa2: {  	_ =	swait.ge [sflag:s23], $0x1  }
0xa3: {  	[sflag:s23] =	ssyncset.done $0x0  }
0xa4: {  	s25 =	simm.s32 $0x1B8E;
	s24 =	sld [smem:$0x3FFE];
	[sflag:s23] =	ssyncadd.s32 $0xFFFFFFFF  }
0xa5: {  	s26 =	simm.s32 $execute0_lowered;
	[smem:$0x3FD2] =	sst s25  }
0xa6: {  	s4 =	sshll.u32 s26, $0x1;
	_ =	strace $0x80000046;
	[dreg:$0x1] =	wrdreg $0xFFFFFFFF  }
0xa7: {  	s28 =	simm.s32 $_size_execute0_lowered;
	s2 =	sadd.s32 s2, s4;
	[dreg:$0x0] =	wrdreg $0x0  }
0xa8: {  	s4 =	sshll.u32 s28, $0x1;
	[dreg:$0x2] =	wrdreg s2  }
0xa9: {  	[dreg:$0x3] =	wrdreg s4  }
0xaa: {  	[dreg:$0x4] =	wrdreg $0xC0  }
0xab: {  	_ =	task [dreg:s6], $0x5FFFF  }
0xac: {  	[dreg:$0x1] =	wrdreg $0xFFFFFFFF  }
0xad: {  	[dreg:$0x0] =	wrdreg $0x60  }
0xae: {  	[dreg:$0x2] =	wrdreg s24  }
0xaf: {  	[dreg:$0x3] =	wrdreg $0x57800  }
0xb0: {  	[dreg:$0x4] =	wrdreg $0x9  }
0xb1: {  	_ =	task.clear_ibuf [dreg:s6], $0x5FFFF;
	_ =	strace $0x90000046  }
0xb2: {  	s29 =	simm.s32 $0x9;
	_ =	strace $0x80000048  }
0xb3: {  	_ =	swait.ge [sflag:s29], $0x1  }
0xb4: {  	[sflag:s29] =	ssyncadd.s32 $0xFFFFFFFF  }
0xb5: {  	_ =	strace $0x90000048  }
0xb6: {  	_ =	sfence  }
0xb7: {  	s30 =	sld [smem:$0x0];
	_ =	sdelay $0x2  }
0xb8: {  	s31 =	sshll.u32 s1, $0xD;
	s1 =	sshrl.u32 s1, $0x2  }
0xb9: {  	s3 =	sand.u32 $0x4000, s31;
	s1 =	sadd.s32 s1, s30  }
0xba: {  	s0 =	sor.u32 s3, s0;
	s1 =	sshll.u32 s1, $0x11  }
0xbb: {  	s0 =	sor.u32 s1, s0  }
0xbc: {  	s0 =	sadd.s32 $0x8F2B, s0  }
0xbd: {  	[sflag:s0] =	ssyncadd.remote.s32 $0x1  }
0xbe: {  	_ =	sfence.sel $0xFFFF  }
0xbf: {  	[dreg:$0x0] =	wrdreg $0xFFFFFFFF;
	(pc) =	sbr.abs _section_cstart, $3  }
0xc0: {  	[dreg:$0x1] =	wrdreg $0xFFFFFFFF  }
0xc1: {  	_ =	task.clear_ibuf [dreg:s6], $0x2FFFF;
	_ =	strace $0x9FFFFFFF  }
0xc2: {  	(tm) =	ssettm $0x7FFFFFFF  }
0xc3: {  	_ =	shalt  }
tec
execute0_lowered:
.L_overlay_start_1:
0x0: {  	(tag) =	ssettag $0x1  }
0x1: {  	s3 =	rddreg [dreg:$0x0];
	s0 =	srdreg.scid  }
0x2: {  	s5 =	rddreg [dreg:$0x1];
	s1 =	stileid.u32;
	s2 =	simm.s32 $0x0  }
0x3: {  	s11 =	simm.s32 $0x5380;
	s4 =	sand.u32 $0x1, s0;
	s0 =	rddreg [dreg:$0x2]  }
0x4: {  	s12 =	simm.s32 $0x0;
	[smem:$0x7FF] =	sst s2;
	s8 =	sshll.u32 s1, $0xA  }
0x5: {  	s9 =	smul.u32 $0xA000, s1;
	p0 =	sgt.u32 s1, $0x9;
	s6 =	sshll.u32 s4, $0x4  }
0x6: {  	s7 =	smul.u32 $0x2800, s4;
	s4 =	ssub.s32 $0x2, s4;
	s6 =	sor.u32 s1, s6  }
0x7: {  	_ =	strace $0x80000047;
	s31 =	sshrl.u32 s4, $0x1;
	s6 =	smul.u32 $0x4E2, s6  }
.Ltmp0:
0x8: {  	s9 =	sshrl.u32 s9, $0x2;
	s7 =	sadd.s32 s8, s7;
	(pc) =	sbr.rel .LBB2_1-.Ltmp0, $4  }
0x9: {  	s10 =	ssub.s32 s4, s31;
	s4 =	sadd.s32 s9, s5;
	s5 =	sadd.s32 s8, s5  }
0xa: {  	s8 =	simm.s32 $0x1;
	s7 =	sshrl.u32 s7, $0x3;
	s6 =	sadd.s32 s6, s3  }
0xb: {  	s9 =	simm.s32 $0x2780;
	s7 =	sadd.s32 s7, s3;
	s3 =	sadd.s32 $0x1A00, s6  }
0xc: {  	v0 =	vimm.f32 $0.0e+00;
	v1 =	vimm.f32 $1.000000000e+00;
	s6 =	sadd.s32 $0xB800, s7;
	s7 =	smax.u32 s10, $0x1;
	s10 =	simm.s32 $0x4F80  }
.LBB2_8:
0xd: {  	[tilespmem:$0x5370] =	vst v2  }
0xe: {  	[hbm4b:s6+s2] =	stream.linear.scatter [tilespmem:s10], [sflag:$0x1], $0x400, $0x38;
	[tilespmem:$0x7F80] =	vst v63  }
0xf: {  	_ =	swait.ge [sflag:s8], $0x400  }
0x10: {  	[sflag:s8] =	ssyncset.done $0x0  }
0x11: {  	[sflag:s8] =	ssyncadd.s32 $0xFFFFFC00  }
.LBB2_9:
0x12: {  	s12 =	sadd.s32 $0x1, s12  }
0x13: {  	p1 =	sne.s32 s12, s7  }
.Ltmp1:
0x14: {  	_ = 	snop;
	(pc) =	sbr.rel @!p1 .LBB2_10-.Ltmp1, $1  }
0x15: {  	_ =	sdelay $0x3  }
.LBB2_1:
0x16: {  	[tilespmem:s2], [sflag:$0x1] =	stream.linear.gather [hbm4b:s3+s2], $0x2710, $0x38;
	[tilespmem:$0x7F80] =	vst v63  }
0x17: {  	_ =	swait.ge [sflag:s8], $0x2710  }
0x18: {  	[sflag:s8] =	ssyncset.done $0x0  }
0x19: {  	s13 =	simm.s32 $0x70;
	s14 =	simm.s32 $0x3C0;
	[sflag:s8] =	ssyncadd.s32 $0xFFFFD8F0  }
.LBB2_2:
0x1a: {  	p1 =	sne.s32 s14, $0x9FC0;
	[tilespmem:s13+$0x2780] =	vst v0  }
0x1b: {  	[tilespmem:s13+$0x2710] =	vst v0  }
0x1c: {  	[tilespmem:s13+$0x2720] =	vst v0  }
.Ltmp2:
0x1d: {  	[tilespmem:s13+$0x2730] =	vst v0;
	(pc) =	sbr.rel @p1 .LBB2_2-.Ltmp2, $4  }
0x1e: {  	[tilespmem:s13+$0x2740] =	vst v0  }
0x1f: {  	[tilespmem:s13+$0x2750] =	vst v0  }
0x20: {  	[tilespmem:s13+$0x2760] =	vst v0  }
0x21: {  	[tilespmem:s13+$0x2770] =	vst v0;
	s13 =	sshra.s32 s14, $0x2;
	s14 =	sadd.s32 $0x200, s14  }
0x22: {  	[tilespmem:s13+$0x2780] =	vst v0  }
0x23: {  	[tilespmem:s13+$0x2710] =	vst v0  }
0x24: {  	[tilespmem:s13+$0x2720] =	vst v0  }
0x25: {  	[tilespmem:s13+$0x2730] =	vst v0  }
0x26: {  	[tilespmem:s13+$0x2740] =	vst v0  }
0x27: {  	[tilespmem:s13+$0x2750] =	vst v0  }
0x28: {  	[tilespmem:s13+$0x2760] =	vst v0  }
0x29: {  	[tilespmem:s13+$0x2770] =	vst v0;
	s14 =	simm.s32 $0x0;
	s13 =	simm.s32 $0x40  }
.LBB2_4:
0x2a: {  	p1 =	sne.s32 s13, $0x9C00;
	v2 =	vld [tilespmem:s14+$0x0];
	_ =	sdelay $0x3  }
.Ltmp3:
0x2b: {  	(pc) =	sbr.rel @p1 .LBB2_4-.Ltmp3, $2  }
0x2c: {  	_ =	sdelay $0x2  }
0x2d: {  	s14 =	sshra.s32 s13, $0x2;
	s13 =	sadd.s32 $0x40, s13;
	[tilespmem:v2+s9+$0x0] =	vst.idx.add.f32.msk $0xffff, v1  }
0x2e: {  	v2 =	vld [tilespmem:s14+$0x0];
	_ =	sdelay $0x7  }
0x2f: {  	[tilespmem:v2+s9+$0x0] =	vst.idx.add.f32.msk $0xffff, v1  }
0x30: {  	[spmem:s4] =	stream.linear.scatter [tilespmem:s9], [sflag:$0x1], $0x2800, $0x38;
	[tilespmem:$0x7F80] =	vst v63  }
.Ltmp4:
0x31: {  	_ =	swait.ge [sflag:s8], $0x2800;
	(pc) =	sbr.rel @p0 .LBB2_9-.Ltmp4, $3  }
0x32: {  	[sflag:s8] =	ssyncset.done $0x0  }
0x33: {  	[sflag:s8] =	ssyncadd.s32 $0xFFFFD800  }
0x34: {  	[bflag:$0x0] =	sbarrier.arrive $0xFFFF;
	_ =	sdelay $0x1  }
0x35: {  	[tilespmem:s10], [sflag:$0x1] =	stream.linear.gather [spmem:s5], $0x400, $0x38;
	[tilespmem:$0x7F80] =	vst v63  }
0x36: {  	_ =	swait.ge [sflag:s8], $0x400  }
0x37: {  	[sflag:s8] =	ssyncset.done $0x0  }
0x38: {  	s13 =	sadd.s32 $0x2800, s5;
	[sflag:s8] =	ssyncadd.s32 $0xFFFFFC00  }
0x39: {  	[tilespmem:s11], [sflag:$0x1] =	stream.linear.gather [spmem:s13], $0x400, $0x38;
	[tilespmem:$0x7F80] =	vst v63  }
0x3a: {  	_ =	swait.ge [sflag:s8], $0x400  }
0x3b: {  	[sflag:s8] =	ssyncset.done $0x0  }
0x3c: {  	[sflag:s8] =	ssyncadd.s32 $0xFFFFFC00  }
0x3d: {  	v2 =	vld [tilespmem:$0x5630]  }
0x3e: {  	v4 =	vld [tilespmem:$0x4F90]  }
0x3f: {  	v5 =	vld [tilespmem:$0x5390]  }
0x40: {  	v6 =	vld [tilespmem:$0x4FA0]  }
0x41: {  	v7 =	vld [tilespmem:$0x53A0]  }
0x42: {  	v8 =	vld [tilespmem:$0x4FB0]  }
0x43: {  	v9 =	vld [tilespmem:$0x53B0]  }
0x44: {  	v10 =	vld [tilespmem:$0x4FC0]  }
0x45: {  	v11 =	vld [tilespmem:$0x53C0]  }
0x46: {  	v12 =	vld [tilespmem:$0x4FD0]  }
0x47: {  	v13 =	vld [tilespmem:$0x53D0]  }
0x48: {  	v14 =	vld [tilespmem:$0x4FE0]  }
0x49: {  	v15 =	vld [tilespmem:$0x53E0]  }
0x4a: {  	v16 =	vld [tilespmem:$0x4FF0]  }
0x4b: {  	v17 =	vld [tilespmem:$0x53F0]  }
0x4c: {  	v18 =	vld [tilespmem:$0x5000]  }
0x4d: {  	v19 =	vld [tilespmem:$0x5400]  }
0x4e: {  	v20 =	vld [tilespmem:$0x5010]  }
0x4f: {  	v21 =	vld [tilespmem:$0x5410]  }
0x50: {  	v22 =	vld [tilespmem:$0x5020]  }
0x51: {  	v23 =	vld [tilespmem:$0x5420]  }
0x52: {  	v24 =	vld [tilespmem:$0x5030]  }
0x53: {  	v25 =	vld [tilespmem:$0x5430]  }
0x54: {  	v26 =	vld [tilespmem:$0x5040]  }
0x55: {  	v27 =	vld [tilespmem:$0x5440]  }
0x56: {  	v28 =	vld [tilespmem:$0x5050]  }
0x57: {  	v29 =	vld [tilespmem:$0x5450]  }
0x58: {  	v30 =	vld [tilespmem:$0x5060]  }
0x59: {  	v31 =	vld [tilespmem:$0x5460]  }
0x5a: {  	v32 =	vld [tilespmem:$0x5070]  }
0x5b: {  	v33 =	vld [tilespmem:$0x5470]  }
0x5c: {  	v34 =	vld [tilespmem:$0x5080]  }
0x5d: {  	v35 =	vld [tilespmem:$0x5480]  }
0x5e: {  	v36 =	vld [tilespmem:$0x5090]  }
0x5f: {  	v37 =	vld [tilespmem:$0x5490]  }
0x60: {  	v38 =	vld [tilespmem:$0x50A0]  }
0x61: {  	v39 =	vld [tilespmem:$0x54A0]  }
0x62: {  	v40 =	vld [tilespmem:$0x50B0]  }
0x63: {  	v41 =	vld [tilespmem:$0x54B0]  }
0x64: {  	v42 =	vld [tilespmem:$0x50C0]  }
0x65: {  	v43 =	vld [tilespmem:$0x54C0]  }
0x66: {  	v44 =	vld [tilespmem:$0x50D0]  }
0x67: {  	v45 =	vld [tilespmem:$0x54D0]  }
0x68: {  	v46 =	vld [tilespmem:$0x50E0]  }
0x69: {  	v47 =	vld [tilespmem:$0x54E0]  }
0x6a: {  	v48 =	vld [tilespmem:$0x50F0]  }
0x6b: {  	v49 =	vld [tilespmem:$0x54F0]  }
0x6c: {  	v50 =	vld [tilespmem:$0x5100]  }
0x6d: {  	v51 =	vld [tilespmem:$0x5500]  }
0x6e: {  	v52 =	vld [tilespmem:$0x5110]  }
0x6f: {  	v53 =	vld [tilespmem:$0x5510]  }
0x70: {  	v54 =	vld [tilespmem:$0x5120]  }
0x71: {  	v55 =	vld [tilespmem:$0x5520]  }
0x72: {  	v56 =	vld [tilespmem:$0x5130]  }
0x73: {  	v57 =	vld [tilespmem:$0x5530]  }
0x74: {  	v58 =	vld [tilespmem:$0x5140]  }
0x75: {  	v59 =	vld [tilespmem:$0x5540]  }
0x76: {  	v60 =	vld [tilespmem:$0x5150]  }
0x77: {  	v3 =	vld [tilespmem:$0x5180]  }
0x78: {  	v61 =	vld [tilespmem:$0x5550]  }
0x79: {  	v62 =	vld [tilespmem:$0x5160]  }
0x7a: {  	v63 =	vld [tilespmem:$0x5560]  }
0x7b: {  	[tilespmem:$0x1FFE0] =	vst v2;
	v2 =	vld [tilespmem:$0x5380]  }
0x7c: {  	[tilespmem:$0x1FFA0] =	vst v3;
	v3 =	vld [tilespmem:$0x5580]  }
0x7d: {  	v4 =	vadd.f32 v5, v4;
	v5 =	vld [tilespmem:$0x51A0]  }
0x7e: {  	v6 =	vadd.f32 v7, v6;
	v7 =	vld [tilespmem:$0x55A0]  }
0x7f: {  	v13 =	vadd.f32 v13, v12;
	v12 =	vld [tilespmem:$0x51D0]  }
0x80: {  	v17 =	vadd.f32 v17, v16;
	v16 =	vld [tilespmem:$0x51F0]  }
0x81: {  	v19 =	vadd.f32 v19, v18;
	v18 =	vld [tilespmem:$0x5200]  }
0x82: {  	v21 =	vadd.f32 v21, v20;
	v20 =	vld [tilespmem:$0x5210]  }
0x83: {  	v23 =	vadd.f32 v23, v22;
	v22 =	vld [tilespmem:$0x5220]  }
0x84: {  	v25 =	vadd.f32 v25, v24;
	v24 =	vld [tilespmem:$0x5230]  }
0x85: {  	v27 =	vadd.f32 v27, v26;
	v26 =	vld [tilespmem:$0x5240]  }
0x86: {  	v29 =	vadd.f32 v29, v28;
	v28 =	vld [tilespmem:$0x5250];
	[tilespmem:$0x4F90] =	vst v4  }
0x87: {  	v31 =	vadd.f32 v31, v30;
	v33 =	vadd.f32 v33, v32;
	v30 =	vld [tilespmem:$0x5260];
	[tilespmem:$0x4FA0] =	vst v6  }
0x88: {  	v35 =	vadd.f32 v35, v34;
	v38 =	vadd.f32 v39, v38;
	v32 =	vld [tilespmem:$0x5270];
	[tilespmem:$0x4FD0] =	vst v13  }
0x89: {  	v39 =	vadd.f32 v41, v40;
	v40 =	vadd.f32 v43, v42;
	v34 =	vld [tilespmem:$0x5280];
	[tilespmem:$0x4FF0] =	vst v17  }
0x8a: {  	v41 =	vadd.f32 v45, v44;
	v45 =	vadd.f32 v53, v52;
	v53 =	vld [tilespmem:$0x5690];
	[tilespmem:$0x5000] =	vst v19  }
0x8b: {  	v42 =	vadd.f32 v47, v46;
	v46 =	vadd.f32 v55, v54;
	v55 =	vld [tilespmem:$0x52A0];
	[tilespmem:$0x5010] =	vst v21  }
0x8c: {  	v47 =	vadd.f32 v57, v56;
	v57 =	vld [tilespmem:$0x56A0];
	[tilespmem:$0x5020] =	vst v23  }
0x8d: {  	[tilespmem:$0x1FFB0] =	vst v3;
	v3 =	vld [tilespmem:$0x5190]  }
0x8e: {  	v43 =	vadd.f32 v49, v48;
	v48 =	vadd.f32 v59, v58;
	v58 =	vld [tilespmem:$0x52B0];
	[tilespmem:$0x5030] =	vst v25  }
0x8f: {  	v49 =	vadd.f32 v61, v60;
	v60 =	vld [tilespmem:$0x56B0];
	[tilespmem:$0x5040] =	vst v27  }
0x90: {  	v61 =	vld [tilespmem:$0x52C0];
	[tilespmem:$0x5050] =	vst v29  }
0x91: {  	[tilespmem:$0x1FFF0] =	vst v2;
	v2 =	vld [tilespmem:$0x5170]  }
0x92: {  	[tilespmem:$0x1FFC0] =	vst v3;
	v3 =	vld [tilespmem:$0x5590]  }
0x93: {  	v44 =	vadd.f32 v51, v50;
	v50 =	vadd.f32 v63, v62;
	v63 =	vld [tilespmem:$0x56C0];
	[tilespmem:$0x5060] =	vst v31  }
0x94: {  	v51 =	vld [tilespmem:$0x1FFA0];
	[tilespmem:$0x5070] =	vst v33  }
0x95: {  	v4 =	vadd.f32 v9, v8;
	v8 =	vld [tilespmem:$0x51B0];
	[tilespmem:$0x5080] =	vst v35  }
0x96: {  	v37 =	vadd.f32 v37, v36;
	[tilespmem:$0x1FF90] =	vst v2;
	v2 =	vld [tilespmem:$0x5570]  }
0x97: {  	[tilespmem:$0x1FFD0] =	vst v3;
	v3 =	vld [tilespmem:$0x1FF90]  }
0x98: {  	v9 =	vld [tilespmem:$0x55B0];
	[tilespmem:$0x5090] =	vst v37  }
0x99: {  	v6 =	vadd.f32 v11, v10;
	v10 =	vld [tilespmem:$0x51C0];
	[tilespmem:$0x50A0] =	vst v38  }
0x9a: {  	v11 =	vld [tilespmem:$0x55C0];
	[tilespmem:$0x50B0] =	vst v39  }
0x9b: {  	v13 =	vld [tilespmem:$0x55D0];
	[tilespmem:$0x50C0] =	vst v40  }
0x9c: {  	v17 =	vld [tilespmem:$0x55F0];
	[tilespmem:$0x50D0] =	vst v41;
	v2 =	vadd.f32 v2, v3  }
0x9d: {  	[tilespmem:$0x50E0] =	vst v42;
	v54 =	vld [tilespmem:$0x1FFD0]  }
0x9e: {  	[tilespmem:$0x5170] =	vst v2;
	v2 =	vld [tilespmem:$0x1FFC0]  }
0x9f: {  	v19 =	vld [tilespmem:$0x5600];
	[tilespmem:$0x50F0] =	vst v43  }
0xa0: {  	v21 =	vld [tilespmem:$0x5610];
	[tilespmem:$0x5100] =	vst v44  }
0xa1: {  	v23 =	vld [tilespmem:$0x5620];
	[tilespmem:$0x5110] =	vst v45  }
0xa2: {  	v25 =	vld [tilespmem:$0x4F80];
	[tilespmem:$0x5120] =	vst v46  }
0xa3: {  	v27 =	vld [tilespmem:$0x5640];
	[tilespmem:$0x5130] =	vst v47;
	v2 =	vadd.f32 v54, v2  }
0xa4: {  	v29 =	vld [tilespmem:$0x5650];
	[tilespmem:$0x5140] =	vst v48  }
0xa5: {  	v31 =	vld [tilespmem:$0x5660];
	[tilespmem:$0x5190] =	vst v2;
	v2 =	vadd.f32 v9, v8  }
0xa6: {  	v33 =	vld [tilespmem:$0x5670];
	[tilespmem:$0x5150] =	vst v49  }
0xa7: {  	v35 =	vld [tilespmem:$0x5680];
	[tilespmem:$0x51B0] =	vst v2;
	v2 =	vadd.f32 v13, v12  }
0xa8: {  	[tilespmem:$0x5160] =	vst v50;
	v37 =	vld [tilespmem:$0x52D0]  }
0xa9: {  	v39 =	vld [tilespmem:$0x56D0];
	[tilespmem:$0x51D0] =	vst v2;
	v2 =	vadd.f32 v17, v16  }
0xaa: {  	v40 =	vld [tilespmem:$0x52E0];
	[tilespmem:$0x4FB0] =	vst v4  }
0xab: {  	v42 =	vld [tilespmem:$0x56E0];
	[tilespmem:$0x51F0] =	vst v2;
	v2 =	vadd.f32 v21, v20  }
0xac: {  	v43 =	vld [tilespmem:$0x52F0];
	[tilespmem:$0x4FC0] =	vst v6;
	v6 =	vadd.f32 v15, v14  }
0xad: {  	v56 =	vadd.f32 v7, v5;
	[tilespmem:$0x5210] =	vst v2;
	v2 =	vld [tilespmem:$0x1FFE0]  }
0xae: {  	v45 =	vld [tilespmem:$0x56F0];
	[tilespmem:$0x4FE0] =	vst v6;
	v59 =	vadd.f32 v11, v10  }
0xaf: {  	v14 =	vld [tilespmem:$0x51E0];
	[tilespmem:$0x51A0] =	vst v56;
	v38 =	vadd.f32 v19, v18  }
0xb0: {  	v15 =	vld [tilespmem:$0x55E0];
	v41 =	vadd.f32 v23, v22;
	[tilespmem:$0x51C0] =	vst v59  }
0xb1: {  	v46 =	vld [tilespmem:$0x5300];
	v47 =	vadd.f32 v29, v28;
	[tilespmem:$0x5200] =	vst v38  }
0xb2: {  	v52 =	vld [tilespmem:$0x1FFB0];
	[tilespmem:$0x5220] =	vst v41;
	v2 =	vadd.f32 v2, v24  }
0xb3: {  	v48 =	vld [tilespmem:$0x5700];
	v50 =	vadd.f32 v33, v32;
	[tilespmem:$0x5250] =	vst v47  }
0xb4: {  	v3 =	vld [tilespmem:$0x5290];
	[tilespmem:$0x5230] =	vst v2;
	v2 =	vadd.f32 v27, v26  }
0xb5: {  	v49 =	vld [tilespmem:$0x5310];
	v62 =	vadd.f32 v15, v14;
	[tilespmem:$0x5270] =	vst v50  }
0xb6: {  	v44 =	vld [tilespmem:$0x1FFF0];
	[tilespmem:$0x5240] =	vst v2;
	v2 =	vadd.f32 v31, v30  }
0xb7: {  	v56 =	vld [tilespmem:$0x5340];
	v4 =	vadd.f32 v52, v51;
	[tilespmem:$0x51E0] =	vst v62  }
0xb8: {  	v59 =	vld [tilespmem:$0x5750];
	[tilespmem:$0x5260] =	vst v2;
	v2 =	vadd.f32 v35, v34  }
0xb9: {  	v51 =	vld [tilespmem:$0x5710];
	[tilespmem:$0x5180] =	vst v4;
	v3 =	vadd.f32 v53, v3  }
0xba: {  	v52 =	vld [tilespmem:$0x5320];
	[tilespmem:$0x5280] =	vst v2;
	v2 =	vadd.f32 v57, v55  }
0xbb: {  	v62 =	vld [tilespmem:$0x5370];
	[tilespmem:$0x5290] =	vst v3;
	v3 =	vadd.f32 v60, v58  }
0xbc: {  	v53 =	vld [tilespmem:$0x5720];
	[tilespmem:$0x52A0] =	vst v2;
	v2 =	vadd.f32 v63, v61  }
0xbd: {  	v54 =	vld [tilespmem:$0x5330];
	[tilespmem:$0x52B0] =	vst v3;
	v3 =	vadd.f32 v39, v37  }
0xbe: {  	v60 =	vld [tilespmem:$0x5360];
	[tilespmem:$0x52C0] =	vst v2;
	v2 =	vadd.f32 v42, v40  }
0xbf: {  	[tilespmem:$0x52D0] =	vst v3;
	v3 =	vadd.f32 v45, v43;
	v57 =	vld [tilespmem:$0x5740]  }
0xc0: {  	v55 =	vld [tilespmem:$0x5730];
	[tilespmem:$0x52E0] =	vst v2;
	v2 =	vadd.f32 v48, v46  }
0xc1: {  	v16 =	vadd.f32 v44, v25;
	[tilespmem:$0x52F0] =	vst v3;
	v61 =	vld [tilespmem:$0x5760]  }
0xc2: {  	v58 =	vld [tilespmem:$0x5350];
	[tilespmem:$0x5300] =	vst v2;
	v2 =	vadd.f32 v53, v52  }
0xc3: {  	v3 =	vadd.f32 v51, v49;
	[tilespmem:$0x4F80] =	vst v16;
	v63 =	vld [tilespmem:$0x5770]  }
0xc4: {  	[tilespmem:$0x5320] =	vst v2;
	v2 =	vadd.f32 v57, v56  }
0xc5: {  	[tilespmem:$0x5310] =	vst v3;
	v3 =	vadd.f32 v55, v54  }
0xc6: {  	[tilespmem:$0x5340] =	vst v2;
	v2 =	vadd.f32 v61, v60  }
0xc7: {  	[tilespmem:$0x5330] =	vst v3;
	v3 =	vadd.f32 v59, v58  }
0xc8: {  	[tilespmem:$0x5360] =	vst v2;
	v2 =	vadd.f32 v63, v62  }
0xc9: {  	s13 =	simm.s32 $0x14000;
	[tilespmem:$0x5350] =	vst v3  }
.LBB2_7:
0xca: {  	s14 =	sshra.s32 s13, $0x2;
	p1 =	sne.s32 s13, $0x96000;
	s13 =	sadd.s32 $0xA000, s13;
	[tilespmem:$0x5370] =	vst v2  }
0xcb: {  	s14 =	sadd.s32 s14, s5  }
0xcc: {  	[tilespmem:s11], [sflag:$0x1] =	stream.linear.gather [spmem:s14], $0x400, $0x38;
	[tilespmem:$0x7F80] =	vst v63  }
0xcd: {  	_ =	swait.ge [sflag:s8], $0x400  }
0xce: {  	[sflag:s8] =	ssyncset.done $0x0  }
0xcf: {  	[sflag:s8] =	ssyncadd.s32 $0xFFFFFC00  }
0xd0: {  	v3 =	vld [tilespmem:$0x5630]  }
0xd1: {  	v2 =	vld [tilespmem:$0x5380]  }
0xd2: {  	v4 =	vld [tilespmem:$0x4F90]  }
0xd3: {  	v5 =	vld [tilespmem:$0x5390]  }
0xd4: {  	v6 =	vld [tilespmem:$0x4FA0]  }
0xd5: {  	v7 =	vld [tilespmem:$0x53A0]  }
0xd6: {  	v8 =	vld [tilespmem:$0x4FB0]  }
0xd7: {  	v9 =	vld [tilespmem:$0x53B0]  }
0xd8: {  	v4 =	vadd.f32 v5, v4;
	v5 =	vld [tilespmem:$0x4FC0]  }
0xd9: {  	v10 =	vld [tilespmem:$0x53C0]  }
0xda: {  	[tilespmem:$0x4F90] =	vst v4;
	v4 =	vadd.f32 v7, v6;
	v6 =	vld [tilespmem:$0x4FD0]  }
0xdb: {  	v7 =	vld [tilespmem:$0x53D0]  }
0xdc: {  	[tilespmem:$0x4FA0] =	vst v4;
	v4 =	vadd.f32 v9, v8;
	v8 =	vld [tilespmem:$0x4FE0]  }
0xdd: {  	v9 =	vld [tilespmem:$0x53E0]  }
0xde: {  	[tilespmem:$0x4FB0] =	vst v4;
	v4 =	vadd.f32 v10, v5;
	v5 =	vld [tilespmem:$0x4FF0]  }
0xdf: {  	v10 =	vld [tilespmem:$0x53F0]  }
0xe0: {  	[tilespmem:$0x4FC0] =	vst v4;
	v4 =	vadd.f32 v7, v6;
	v6 =	vld [tilespmem:$0x5000]  }
0xe1: {  	v7 =	vld [tilespmem:$0x5400]  }
0xe2: {  	[tilespmem:$0x4FD0] =	vst v4;
	v4 =	vadd.f32 v9, v8;
	v8 =	vld [tilespmem:$0x5010]  }
0xe3: {  	v9 =	vld [tilespmem:$0x5410]  }
0xe4: {  	[tilespmem:$0x4FE0] =	vst v4;
	v4 =	vadd.f32 v10, v5;
	v5 =	vld [tilespmem:$0x5020]  }
0xe5: {  	v10 =	vld [tilespmem:$0x5420]  }
0xe6: {  	[tilespmem:$0x4FF0] =	vst v4;
	v4 =	vadd.f32 v7, v6;
	v6 =	vld [tilespmem:$0x5030]  }
0xe7: {  	v7 =	vld [tilespmem:$0x5430]  }
0xe8: {  	[tilespmem:$0x5000] =	vst v4;
	v4 =	vadd.f32 v9, v8;
	v8 =	vld [tilespmem:$0x5040]  }
0xe9: {  	v9 =	vld [tilespmem:$0x5440]  }
0xea: {  	[tilespmem:$0x5010] =	vst v4;
	v4 =	vadd.f32 v10, v5;
	v5 =	vld [tilespmem:$0x5050]  }
0xeb: {  	v10 =	vld [tilespmem:$0x5450]  }
0xec: {  	[tilespmem:$0x5020] =	vst v4;
	v4 =	vadd.f32 v7, v6;
	v6 =	vld [tilespmem:$0x5060]  }
0xed: {  	v7 =	vld [tilespmem:$0x5460]  }
0xee: {  	[tilespmem:$0x5030] =	vst v4;
	v4 =	vadd.f32 v9, v8;
	v8 =	vld [tilespmem:$0x5070]  }
0xef: {  	v9 =	vld [tilespmem:$0x5470]  }
0xf0: {  	[tilespmem:$0x5040] =	vst v4;
	v4 =	vadd.f32 v10, v5;
	v5 =	vld [tilespmem:$0x5080]  }
0xf1: {  	v10 =	vld [tilespmem:$0x5480]  }
0xf2: {  	[tilespmem:$0x5050] =	vst v4;
	v4 =	vadd.f32 v7, v6;
	v6 =	vld [tilespmem:$0x5090]  }
0xf3: {  	v7 =	vld [tilespmem:$0x5490]  }
0xf4: {  	[tilespmem:$0x5060] =	vst v4;
	v4 =	vadd.f32 v9, v8;
	v8 =	vld [tilespmem:$0x50A0]  }
0xf5: {  	v9 =	vld [tilespmem:$0x54A0]  }
0xf6: {  	[tilespmem:$0x5070] =	vst v4;
	v4 =	vadd.f32 v10, v5;
	v5 =	vld [tilespmem:$0x50B0]  }
0xf7: {  	v10 =	vld [tilespmem:$0x54B0]  }
0xf8: {  	[tilespmem:$0x5080] =	vst v4;
	v4 =	vadd.f32 v7, v6;
	v6 =	vld [tilespmem:$0x50C0]  }
0xf9: {  	v7 =	vld [tilespmem:$0x54C0]  }
0xfa: {  	[tilespmem:$0x5090] =	vst v4;
	v4 =	vadd.f32 v9, v8;
	v8 =	vld [tilespmem:$0x50D0]  }
0xfb: {  	v9 =	vld [tilespmem:$0x54D0]  }
0xfc: {  	[tilespmem:$0x50A0] =	vst v4;
	v4 =	vadd.f32 v10, v5;
	v5 =	vld [tilespmem:$0x50E0]  }
0xfd: {  	v10 =	vld [tilespmem:$0x54E0]  }
0xfe: {  	[tilespmem:$0x50B0] =	vst v4;
	v4 =	vadd.f32 v7, v6;
	v6 =	vld [tilespmem:$0x50F0]  }
0xff: {  	v7 =	vld [tilespmem:$0x54F0]  }
0x100: {  	[tilespmem:$0x50C0] =	vst v4;
	v4 =	vadd.f32 v9, v8;
	v8 =	vld [tilespmem:$0x5100]  }
0x101: {  	v9 =	vld [tilespmem:$0x5500]  }
0x102: {  	[tilespmem:$0x50D0] =	vst v4;
	v4 =	vadd.f32 v10, v5;
	v5 =	vld [tilespmem:$0x5110]  }
0x103: {  	v10 =	vld [tilespmem:$0x5510]  }
0x104: {  	[tilespmem:$0x50E0] =	vst v4;
	v4 =	vadd.f32 v7, v6;
	v6 =	vld [tilespmem:$0x5120]  }
0x105: {  	v7 =	vld [tilespmem:$0x5520]  }
0x106: {  	[tilespmem:$0x50F0] =	vst v4;
	v4 =	vadd.f32 v9, v8;
	v8 =	vld [tilespmem:$0x5130]  }
0x107: {  	v9 =	vld [tilespmem:$0x5530]  }
0x108: {  	[tilespmem:$0x5100] =	vst v4;
	v4 =	vadd.f32 v10, v5;
	v5 =	vld [tilespmem:$0x5140]  }
0x109: {  	v10 =	vld [tilespmem:$0x5540]  }
0x10a: {  	[tilespmem:$0x5110] =	vst v4;
	v4 =	vadd.f32 v7, v6;
	v6 =	vld [tilespmem:$0x5150]  }
0x10b: {  	v7 =	vld [tilespmem:$0x5550]  }
0x10c: {  	[tilespmem:$0x5120] =	vst v4;
	v4 =	vadd.f32 v9, v8;
	v8 =	vld [tilespmem:$0x5160]  }
0x10d: {  	v9 =	vld [tilespmem:$0x5560]  }
0x10e: {  	[tilespmem:$0x5130] =	vst v4;
	v4 =	vadd.f32 v10, v5;
	v5 =	vld [tilespmem:$0x5170]  }
0x10f: {  	v10 =	vld [tilespmem:$0x5570]  }
0x110: {  	[tilespmem:$0x5140] =	vst v4;
	v4 =	vadd.f32 v7, v6;
	v6 =	vld [tilespmem:$0x5180]  }
0x111: {  	v7 =	vld [tilespmem:$0x5580]  }
0x112: {  	[tilespmem:$0x5150] =	vst v4;
	v4 =	vadd.f32 v9, v8;
	v8 =	vld [tilespmem:$0x5190]  }
0x113: {  	v9 =	vld [tilespmem:$0x5590]  }
0x114: {  	[tilespmem:$0x5160] =	vst v4;
	v4 =	vadd.f32 v10, v5;
	v5 =	vld [tilespmem:$0x51A0]  }
0x115: {  	v10 =	vld [tilespmem:$0x55A0]  }
0x116: {  	[tilespmem:$0x5170] =	vst v4;
	v4 =	vadd.f32 v7, v6;
	v6 =	vld [tilespmem:$0x51B0]  }
0x117: {  	v7 =	vld [tilespmem:$0x55B0]  }
0x118: {  	[tilespmem:$0x5180] =	vst v4;
	v4 =	vadd.f32 v9, v8;
	v8 =	vld [tilespmem:$0x51C0]  }
0x119: {  	v9 =	vld [tilespmem:$0x55C0]  }
0x11a: {  	[tilespmem:$0x5190] =	vst v4;
	v4 =	vadd.f32 v10, v5;
	v5 =	vld [tilespmem:$0x51D0]  }
0x11b: {  	v10 =	vld [tilespmem:$0x55D0]  }
0x11c: {  	[tilespmem:$0x51A0] =	vst v4;
	v4 =	vadd.f32 v7, v6;
	v6 =	vld [tilespmem:$0x51E0]  }
0x11d: {  	v7 =	vld [tilespmem:$0x55E0]  }
0x11e: {  	[tilespmem:$0x51B0] =	vst v4;
	v4 =	vadd.f32 v9, v8;
	v8 =	vld [tilespmem:$0x51F0]  }
0x11f: {  	v9 =	vld [tilespmem:$0x55F0]  }
0x120: {  	[tilespmem:$0x51C0] =	vst v4;
	v4 =	vadd.f32 v10, v5;
	v5 =	vld [tilespmem:$0x5200]  }
0x121: {  	v10 =	vld [tilespmem:$0x5600]  }
0x122: {  	[tilespmem:$0x51D0] =	vst v4;
	v4 =	vadd.f32 v7, v6;
	v6 =	vld [tilespmem:$0x5210]  }
0x123: {  	v7 =	vld [tilespmem:$0x5610]  }
0x124: {  	[tilespmem:$0x51E0] =	vst v4;
	v4 =	vadd.f32 v9, v8;
	v8 =	vld [tilespmem:$0x5220]  }
0x125: {  	v9 =	vld [tilespmem:$0x5620]  }
0x126: {  	[tilespmem:$0x51F0] =	vst v4;
	v4 =	vadd.f32 v10, v5;
	v5 =	vld [tilespmem:$0x5230]  }
0x127: {  	v10 =	vld [tilespmem:$0x4F80]  }
0x128: {  	[tilespmem:$0x5200] =	vst v4;
	v4 =	vadd.f32 v7, v6;
	v6 =	vld [tilespmem:$0x5240]  }
0x129: {  	v7 =	vld [tilespmem:$0x5640]  }
0x12a: {  	[tilespmem:$0x5210] =	vst v4;
	v4 =	vadd.f32 v9, v8;
	v8 =	vld [tilespmem:$0x5250]  }
0x12b: {  	v3 =	vadd.f32 v3, v5;
	v5 =	vld [tilespmem:$0x5650]  }
0x12c: {  	v2 =	vadd.f32 v2, v10;
	[tilespmem:$0x5220] =	vst v4;
	v4 =	vld [tilespmem:$0x5260]  }
0x12d: {  	[tilespmem:$0x5230] =	vst v3;
	v3 =	vld [tilespmem:$0x5660]  }
0x12e: {  	[tilespmem:$0x4F80] =	vst v2;
	v2 =	vadd.f32 v7, v6;
	v6 =	vld [tilespmem:$0x5270]  }
0x12f: {  	v7 =	vld [tilespmem:$0x5670]  }
0x130: {  	[tilespmem:$0x5240] =	vst v2;
	v2 =	vadd.f32 v5, v8;
	v5 =	vld [tilespmem:$0x5280]  }
0x131: {  	v8 =	vld [tilespmem:$0x5680]  }
0x132: {  	[tilespmem:$0x5250] =	vst v2;
	v2 =	vadd.f32 v3, v4;
	v3 =	vld [tilespmem:$0x5290]  }
0x133: {  	v4 =	vld [tilespmem:$0x5690]  }
0x134: {  	[tilespmem:$0x5260] =	vst v2;
	v2 =	vadd.f32 v7, v6;
	v6 =	vld [tilespmem:$0x52A0]  }
0x135: {  	v7 =	vld [tilespmem:$0x56A0]  }
0x136: {  	[tilespmem:$0x5270] =	vst v2;
	v2 =	vadd.f32 v8, v5;
	v5 =	vld [tilespmem:$0x52B0]  }
0x137: {  	v8 =	vld [tilespmem:$0x56B0]  }
0x138: {  	[tilespmem:$0x5280] =	vst v2;
	v2 =	vadd.f32 v4, v3;
	v3 =	vld [tilespmem:$0x52C0]  }
0x139: {  	v4 =	vld [tilespmem:$0x56C0]  }
0x13a: {  	[tilespmem:$0x5290] =	vst v2;
	v2 =	vadd.f32 v7, v6;
	v6 =	vld [tilespmem:$0x52D0]  }
0x13b: {  	v7 =	vld [tilespmem:$0x56D0]  }
0x13c: {  	[tilespmem:$0x52A0] =	vst v2;
	v2 =	vadd.f32 v8, v5;
	v5 =	vld [tilespmem:$0x52E0]  }
0x13d: {  	v8 =	vld [tilespmem:$0x56E0]  }
0x13e: {  	[tilespmem:$0x52B0] =	vst v2;
	v2 =	vadd.f32 v4, v3;
	v3 =	vld [tilespmem:$0x52F0]  }
0x13f: {  	v4 =	vld [tilespmem:$0x56F0]  }
0x140: {  	[tilespmem:$0x52C0] =	vst v2;
	v2 =	vadd.f32 v7, v6;
	v6 =	vld [tilespmem:$0x5300]  }
0x141: {  	v7 =	vld [tilespmem:$0x5700]  }
0x142: {  	[tilespmem:$0x52D0] =	vst v2;
	v2 =	vadd.f32 v8, v5;
	v5 =	vld [tilespmem:$0x5310]  }
0x143: {  	v8 =	vld [tilespmem:$0x5710]  }
0x144: {  	[tilespmem:$0x52E0] =	vst v2;
	v2 =	vadd.f32 v4, v3;
	v3 =	vld [tilespmem:$0x5320]  }
0x145: {  	v4 =	vld [tilespmem:$0x5720]  }
0x146: {  	[tilespmem:$0x52F0] =	vst v2;
	v2 =	vadd.f32 v7, v6;
	v6 =	vld [tilespmem:$0x5330]  }
0x147: {  	v7 =	vld [tilespmem:$0x5730]  }
0x148: {  	[tilespmem:$0x5300] =	vst v2;
	v2 =	vadd.f32 v8, v5;
	v5 =	vld [tilespmem:$0x5340]  }
0x149: {  	v8 =	vld [tilespmem:$0x5740]  }
0x14a: {  	[tilespmem:$0x5310] =	vst v2;
	v2 =	vadd.f32 v4, v3;
	v3 =	vld [tilespmem:$0x5350]  }
0x14b: {  	v4 =	vld [tilespmem:$0x5750]  }
0x14c: {  	[tilespmem:$0x5320] =	vst v2;
	v2 =	vadd.f32 v7, v6;
	v6 =	vld [tilespmem:$0x5360]  }
0x14d: {  	v7 =	vld [tilespmem:$0x5760]  }
0x14e: {  	[tilespmem:$0x5330] =	vst v2;
	v2 =	vadd.f32 v8, v5;
	v5 =	vld [tilespmem:$0x5370]  }
0x14f: {  	v8 =	vld [tilespmem:$0x5770]  }
.Ltmp5:
0x150: {  	[tilespmem:$0x5340] =	vst v2;
	v2 =	vadd.f32 v4, v3;
	(pc) =	sbr.rel @p1 .LBB2_7-.Ltmp5, $3  }
0x151: {  	_ = 	snop  }
0x152: {  	[tilespmem:$0x5350] =	vst v2;
	v2 =	vadd.f32 v7, v6;
	_ =	sdelay $0x1  }
0x153: {  	[tilespmem:$0x5360] =	vst v2;
	v2 =	vadd.f32 v8, v5  }
.Ltmp6:
0x154: {  	_ = 	snop;
	(pc) =	sbr.rel .LBB2_8-.Ltmp6, $1  }
0x155: {  	_ =	sdelay $0x3  }
.LBB2_10:
0x156: {  	_ =	sfence.sel $0x180000  }
0x157: {  	[bflag:$0x0] =	sbarrier.arrive $0xFFFF  }
0x158: {  	p0 =	sne.s32 s1, $0x0;
	_ =	strace $0x90000047  }
0x159: {  	s0 =	sadd.s32 @!p0 $0x100000, s0;
	[bflag:$0x2] =	sbarrier.arrive $0xFFFF  }
0x15a: {  	[sflag:s0] =	ssyncadd.tile.s32 @!p0 $0x1;
	_ =	shalt  }
.Lfunc_end2:
_tile_overlayer_lowered:
.L_overlay_start_2:
0x15b: {  	(tag) =	ssettag $0x2  }
0x15c: {  	s0 =	rddreg [dreg:$0x0];
	s2 =	stileid.u32  }
0x15d: {  	s1 =	rddreg [dreg:$0x1];
	p0 =	sne.s32 s2, $0x0  }
0x15e: {  	s3 =	rddreg [dreg:$0x2];
	[bflag:$0x3] =	sbarrier.arrive $0xFFFF;
	s2 =	simm.s32 @!p0 $0x1C01  }
0x15f: {  	[timem:s3], [sflag:s2] =	dma.local @!p0 [hbm:s0], s1  }
0x160: {  	s0 =	simm.s32 @!p0 $0x1  }
0x161: {  	_ =	swait.ge @!p0 [sflag:s0], s1  }
0x162: {  	s1 =	ssub.s32 @!p0 $0x0, s1;
	[sflag:s0] =	ssyncset.done @!p0 $0x0  }
0x163: {  	[sflag:s0] =	ssyncadd.s32 @!p0 s1  }
0x164: {  	[bflag:$0x3] =	sbarrier.arrive $0xFFFF  }
0x165: {  	_ =	shalt  }

// kernel: kernel.9.cloned.1.call-start
scs
__scs_entry_jumppad:
0x0: {  	(pc) =	sbr.rel $0x88, $3  }
0x1: {  	(tag) =	ssettag $0x0;
	lr =	simm.s32 $0x1  }
0x2: {  	[smem:$0x3F9C] =	sst lr;
	_ =	strace $0xD0000000  }
0x3: {  	_ = 	snop  }
0x4: {  	_ = 	snop  }
0x5: {  	_ = 	snop  }
0x6: {  	_ = 	snop  }
0x7: {  	_ = 	snop  }
__scs_overlays_trampoline_lowered:
0x8: {  	[smem:$0x3FAB] =	sst s0  }
0x9: {  	[smem:$0x3FAC] =	sst s1  }
0xa: {  	[smem:$0x3FAD] =	sst s2  }
0xb: {  	[smem:$0x3FAE] =	sst s3  }
0xc: {  	[smem:$0x3FAF] =	sst s4  }
0xd: {  	[smem:$0x3FB0] =	sst s5  }
0xe: {  	[smem:$0x3FB1] =	sst s6  }
0xf: {  	[smem:$0x3FB2] =	sst s7  }
0x10: {  	[smem:$0x3FB3] =	sst s8  }
0x11: {  	[smem:$0x3FB4] =	sst s9;
	s0 =	simm.s32 @!p0 $0x0  }
0x12: {  	s1 =	sld [smem:$0x3F9A];
	s0 =	simm.s32 @p0 $0x1  }
0x13: {  	[smem:$0x3FB5] =	sst s0;
	s0 =	simm.s32 @!p1 $0x0  }
0x14: {  	s2 =	sld [smem:$0x3F99];
	s0 =	simm.s32 @p1 $0x1  }
0x15: {  	[smem:$0x3FB6] =	sst s0;
	s0 =	simm.s32 @!p2 $0x0  }
0x16: {  	s3 =	sld [smem:$0x3FDB];
	s0 =	simm.s32 @p2 $0x1  }
0x17: {  	s4 =	simm.s32 $0x1BF5;
	[smem:$0x3FB8] =	sst s0  }
0x18: {  	s0 =	sld [smem:$0x3F9B];
	_ =	swait.ge [sflag:s4], $0x0  }
0x19: {  	s7 =	sld [smem:$0x3F9C]  }
0x1a: {  	s8 =	sadd.s32 $0xFFFFE003, lr  }
0x1b: {  	s9 =	sadd.s32 $0xFFFFFEF7, lr;
	s5 =	simm.s32 $0xFFFFFFFF;
	p2 =	slt.u32 s8, $0xFFFFF086  }
0x1c: {  	p1 =	slt.u32 s9, $0xF7A;
	s5 =	simm.s32 @!p2 $0x0  }
0x1d: {  	s5 =	simm.s32 @p1 $0x1;
	p0 =	seq.s32 s7, s2  }
0x1e: {  	s7 =	smul.u32 @!p0 $0xF7A, s2;
	p2 =	seq.s32 @!p0 s5, $0x0  }
0x1f: {  	s9 =	smul.u32 $0xF7A, s1;
	s8 =	simm.s32 @!p0 $0x1BF5;
	p2 =	por !p2, p0  }
0x20: {  	[sflag:s8] =	ssyncset.s32 @!p0 $0xFFFFF086;
	s6 =	sadd.s32 @!p0 s3, s7;
	s7 =	simm.s32 @!p0 $0x108  }
0x21: {  	s3 =	sadd.s32 s3, s9;
	s6 =	sadd.s32 @!p0 $0x88, s6;
	s7 =	simm.s32 @p2 $0x1082  }
0x22: {  	[simem:s7], [sflag:s8] =	dma.local @!p0 [hbm:s6], $0xF7A  }
0x23: {  	s9 =	sor.u32 $0xD0000000, s2;
	s6 =	simm.s32 $0x108;
	_ =	swait.ge @!p0 [sflag:s8], $0x0  }
0x24: {  	s3 =	sadd.s32 $0x88, s3;
	s6 =	simm.s32 @!p1 $0x1082;
	[sflag:s4] =	ssyncset.s32 $0xFFFFF086  }
0x25: {  	[simem:s6], [sflag:s4] =	dma.local [hbm:s3], $0xF7A  }
0x26: {  	[smem:$0x3F9C] =	sst s1;
	(tag) =	ssettag s2;
	_ =	strace s9  }
0x27: {  	s1 =	sld [smem:$0x3FAC]  }
0x28: {  	s2 =	sld [smem:$0x3FAD]  }
0x29: {  	s4 =	sld [smem:$0x3FAF]  }
0x2a: {  	p0 =	seq.s32 s5, $0x0;
	s5 =	sld [smem:$0x3FB0]  }
0x2b: {  	s6 =	sld [smem:$0x3FB1]  }
0x2c: {  	s7 =	sld [smem:$0x3FB2]  }
0x2d: {  	s3 =	simm.s32 $0x108;
	s8 =	sld [smem:$0x3FB3]  }
0x2e: {  	s3 =	simm.s32 @!p0 $0x1082;
	s9 =	sld [smem:$0x3FB4]  }
0x2f: {  	lr =	sadd.s32 s0, s3;
	s0 =	sld [smem:$0x3FAB]  }
0x30: {  	s3 =	sld [smem:$0x3FAE]  }
0x31: {  	[smem:$0x3FB7] =	sst s10  }
0x32: {  	s10 =	sld [smem:$0x3FB5];
	_ =	sdelay $0x3  }
0x33: {  	p0 =	seq.s32 s10, $0x1;
	s10 =	sld [smem:$0x3FB7];
	_ =	sdelay $0x3  }
0x34: {  	[smem:$0x3FB7] =	sst s10  }
0x35: {  	s10 =	sld [smem:$0x3FB6];
	_ =	sdelay $0x3  }
0x36: {  	p1 =	seq.s32 s10, $0x1;
	s10 =	sld [smem:$0x3FB7];
	_ =	sdelay $0x3  }
0x37: {  	[smem:$0x3FB7] =	sst s10  }
0x38: {  	s10 =	sld [smem:$0x3FB8]  }
0x39: {  	_ = 	snop;
	(pc) =	sbr.ind lr, $3  }
0x3a: {  	_ = 	snop  }
0x3b: {  	_ = 	snop  }
0x3c: {  	p2 =	seq.s32 s10, $0x1;
	s10 =	sld [smem:$0x3FB7]  }
0x3d: {  	_ =	shalt  }
0x3e: {  	_ =	shalt  }
0x3f: {  	_ =	shalt  }
0x40: {  	_ =	shalt  }
0x41: {  	_ =	shalt  }
0x42: {  	_ =	shalt  }
0x43: {  	_ =	shalt  }
0x44: {  	_ =	shalt  }
0x45: {  	_ =	shalt  }
0x46: {  	_ =	shalt  }
0x47: {  	_ =	shalt  }
0x48: {  	_ =	shalt  }
0x49: {  	_ =	shalt  }
0x4a: {  	_ =	shalt  }
0x4b: {  	_ =	shalt  }
0x4c: {  	_ =	shalt  }
0x4d: {  	_ =	shalt  }
0x4e: {  	_ =	shalt  }
0x4f: {  	_ =	shalt  }
0x50: {  	_ =	shalt  }
0x51: {  	_ =	shalt  }
0x52: {  	_ =	shalt  }
0x53: {  	_ =	shalt  }
0x54: {  	_ =	shalt  }
0x55: {  	_ =	shalt  }
0x56: {  	_ =	shalt  }
0x57: {  	_ =	shalt  }
0x58: {  	_ =	shalt  }
0x59: {  	_ =	shalt  }
0x5a: {  	_ =	shalt  }
0x5b: {  	_ =	shalt  }
0x5c: {  	_ =	shalt  }
0x5d: {  	_ =	shalt  }
0x5e: {  	_ =	shalt  }
0x5f: {  	_ =	shalt  }
0x60: {  	_ =	shalt  }
0x61: {  	_ =	shalt  }
0x62: {  	_ =	shalt  }
0x63: {  	_ =	shalt  }
0x64: {  	_ =	shalt  }
0x65: {  	_ =	shalt  }
0x66: {  	_ =	shalt  }
0x67: {  	_ =	shalt  }
0x68: {  	_ =	shalt  }
0x69: {  	_ =	shalt  }
0x6a: {  	_ =	shalt  }
0x6b: {  	_ =	shalt  }
0x6c: {  	_ =	shalt  }
0x6d: {  	_ =	shalt  }
0x6e: {  	_ =	shalt  }
0x6f: {  	_ =	shalt  }
0x70: {  	_ =	shalt  }
0x71: {  	_ =	shalt  }
0x72: {  	_ =	shalt  }
0x73: {  	_ =	shalt  }
0x74: {  	_ =	shalt  }
0x75: {  	_ =	shalt  }
0x76: {  	_ =	shalt  }
0x77: {  	_ =	shalt  }
0x78: {  	_ =	shalt  }
0x79: {  	_ =	shalt  }
0x7a: {  	_ =	shalt  }
0x7b: {  	_ =	shalt  }
0x7c: {  	_ =	shalt  }
0x7d: {  	_ =	shalt  }
0x7e: {  	_ =	shalt  }
0x7f: {  	_ =	shalt  }
0x80: {  	_ =	shalt  }
0x81: {  	_ =	shalt  }
0x82: {  	_ =	shalt  }
0x83: {  	_ =	shalt  }
0x84: {  	_ =	shalt  }
0x85: {  	_ =	shalt  }
0x86: {  	_ =	shalt  }
0x87: {  	_ =	shalt  }
.Lfunc_end0:
.L_simem_size_0:
called_computation.1_lowered:
.L_overlay_start_0:
0x88: {  	s2 =	sld [smem:$0x3FD9]  }
0x89: {  	s3 =	sld [smem:$0x3FFE];
	_ =	sdelay $0x1  }
0x8a: {  	s1 =	srdreg.scid  }
0x8b: {  	s0 =	sand.u32 $0x1, s1  }
0x8c: {  	s17 =	sshll.u32 s0, $0xA;
	s2 =	sadd.s32 s3, s2  }
0x8d: {  	s2 =	sadd.s32 s2, s17  }
0x8e: {  	[smem:$0x3FC3] =	sst s2  }
0x8f: {  	_ = 	snop  }
0x90: {  	s2 =	sld [smem:$0x3FD0];
	(tm) =	ssettm $0x1  }
0x91: {  	s18 =	sld [smem:$0x3FFB];
	_ =	sdelay $0x3  }
0x92: {  	_ =	strace s18  }
0x93: {  	s3 =	sld [smem:$0x3FFC];
	_ =	sdelay $0x3  }
0x94: {  	_ =	strace s3  }
0x95: {  	s3 =	sld [smem:$0x3FFD];
	_ =	sdelay $0x3  }
0x96: {  	_ =	strace s3  }
0x97: {  	_ =	strace $0x8FFFFFFF  }
0x98: {  	s19 =	sld [smem:$0x3FDB];
	_ =	sdelay $0x1  }
0x99: {  	s4 =	simm.s32 $_scs_section_size  }
0x9a: {  	s5 =	simm.s32 $_size__tile_overlayer_lowered;
	s6 =	simm.s32 $_tile_overlayer_lowered  }
0x9b: {  	s22 =	simm.s32 $0x1BFF;
	s21 =	sshll.u32 s6, $0x1;
	s3 =	sadd.s32 s4, s19  }
0x9c: {  	s7 =	simm.s32 $0x0;
	s20 =	sshll.u32 s5, $0x1;
	s5 =	sadd.s32 s21, s3  }
0x9d: {  	[timem:s7], [sflag:s22] =	dma.local [hbm:s5], s20  }
0x9e: {  	_ =	swait.ge [sflag:s22], s20  }
0x9f: {  	s4 =	ssub.s32 $0x0, s20;
	[sflag:s22] =	ssyncset.done $0x0  }
0xa0: {  	[sflag:s22] =	ssyncadd.s32 s4;
	_ =	sdelay $0x1  }
0xa1: {  	s23 =	simm.s32 $0x1B8B  }
0xa2: {  	_ =	swait.ge [sflag:s23], $0x1  }
0xa3: {  	[sflag:s23] =	ssyncset.done $0x0  }
0xa4: {  	s25 =	simm.s32 $0x1B8E;
	s24 =	sld [smem:$0x3FFE];
	[sflag:s23] =	ssyncadd.s32 $0xFFFFFFFF  }
0xa5: {  	s26 =	simm.s32 $execute0_lowered;
	[smem:$0x3FD2] =	sst s25  }
0xa6: {  	s5 =	sshll.u32 s26, $0x1;
	_ =	strace $0x80000049;
	[dreg:$0x1] =	wrdreg $0xFFFFFFFF  }
0xa7: {  	s28 =	simm.s32 $_size_execute0_lowered;
	s3 =	sadd.s32 s3, s5;
	[dreg:$0x0] =	wrdreg $0x0  }
0xa8: {  	s5 =	sshll.u32 s28, $0x1;
	[dreg:$0x2] =	wrdreg s3  }
0xa9: {  	[dreg:$0x3] =	wrdreg s5  }
0xaa: {  	[dreg:$0x4] =	wrdreg $0xC0  }
0xab: {  	_ =	task [dreg:s7], $0x5FFFF  }
0xac: {  	[dreg:$0x1] =	wrdreg $0xFFFFFFFF  }
0xad: {  	[dreg:$0x0] =	wrdreg $0x60  }
0xae: {  	[dreg:$0x2] =	wrdreg s24  }
0xaf: {  	[dreg:$0x3] =	wrdreg s2  }
0xb0: {  	[dreg:$0x4] =	wrdreg $0xC3000  }
0xb1: {  	[dreg:$0x5] =	wrdreg $0x9  }
0xb2: {  	_ =	task.clear_ibuf [dreg:s7], $0x6FFFF;
	_ =	strace $0x90000049  }
0xb3: {  	s29 =	simm.s32 $0x9;
	_ =	strace $0x8000004B  }
0xb4: {  	_ =	swait.ge [sflag:s29], $0x1  }
0xb5: {  	[sflag:s29] =	ssyncadd.s32 $0xFFFFFFFF  }
0xb6: {  	_ =	strace $0x9000004B  }
0xb7: {  	_ =	sfence  }
0xb8: {  	s30 =	sld [smem:$0x0];
	_ =	sdelay $0x2  }
0xb9: {  	s31 =	sshll.u32 s1, $0xD;
	s1 =	sshrl.u32 s1, $0x2  }
0xba: {  	s3 =	sand.u32 $0x4000, s31;
	s1 =	sadd.s32 s1, s30  }
0xbb: {  	s0 =	sor.u32 s3, s0;
	s1 =	sshll.u32 s1, $0x11  }
0xbc: {  	s0 =	sor.u32 s1, s0  }
0xbd: {  	s0 =	sadd.s32 $0x8F2B, s0  }
0xbe: {  	[sflag:s0] =	ssyncadd.remote.s32 $0x1  }
0xbf: {  	_ =	sfence.sel $0xFFFF  }
0xc0: {  	[dreg:$0x0] =	wrdreg $0xFFFFFFFF;
	(pc) =	sbr.abs _section_cstart, $3  }
0xc1: {  	[dreg:$0x1] =	wrdreg $0xFFFFFFFF  }
0xc2: {  	_ =	task.clear_ibuf [dreg:s7], $0x2FFFF;
	_ =	strace $0x9FFFFFFF  }
0xc3: {  	(tm) =	ssettm $0x7FFFFFFF  }
tec
execute0_lowered:
.L_overlay_start_1:
0x0: {  	(tag) =	ssettag $0x1  }
0x1: {  	s0 =	rddreg [dreg:$0x0]  }
0x2: {  	s1 =	rddreg [dreg:$0x1]  }
0x3: {  	s2 =	rddreg [dreg:$0x2];
	s3 =	srdreg.scid;
	s4 =	simm.s32 $0x0  }
0x4: {  	s12 =	stileid.u32;
	s28 =	simm.s32 $0x280;
	s29 =	simm.s32 $0x1  }
0x5: {  	s30 =	simm.s32 $0x300;
	s31 =	simm.s32 $0x2;
	s9 =	smul.u32 $0x13C00, s12  }
0x6: {  	s3 =	sand.u32 $0x1, s3;
	[smem:$0x7FF] =	sst s4;
	s22 =	smul.u32 $0x4F000, s12  }
0x7: {  	s5 =	sadd.s32 $0xB800, s0;
	s24 =	smul.u32 $0x2700, s12;
	s26 =	sshll.u32 s12, $0x5  }
0x8: {  	p0 =	sgt.u32 s12, $0x1;
	s7 =	smul.u32 $0x13C000, s3;
	s8 =	sshll.u32 s3, $0x4  }
0x9: {  	_ =	strace $0x8000004A;
	s18 =	ssub.s32 $0x2, s3;
	s3 =	smul.u32 $0x27000, s3  }
0xa: {  	s6 =	sor.u32 s12, s8;
	s11 =	sshrl.u32 s18, $0x1;
	s25 =	sshrl.u32 s22, $0x2  }
0xb: {  	s8 =	sor.u32 s8, s26;
	s12 =	simm.s32 $0x5;
	s10 =	smul.u32 $0x2700, s6  }
0xc: {  	s6 =	sadd.s32 $0x1A00, s0;
	s7 =	sadd.s32 s9, s7;
	s8 =	sor.u32 $0x9C00, s8  }
0xd: {  	s3 =	sadd.s32 s24, s3;
	s7 =	sshrl.u32 s7, $0x3;
	s16 =	sadd.s32 s1, s8  }
0xe: {  	s8 =	sadd.s32 s6, s8;
	s10 =	sshrl.u32 s10, $0x3;
	[dreg:$0xf] =	wrdreg s16  }
0xf: {  	s15 =	sadd.s32 $0x280, s3;
	[dreg:$0x10] =	wrdreg s8;
	s19 =	sadd.s32 s1, s10  }
0x10: {  	s0 =	sadd.s32 s7, s0;
	s20 =	sadd.s32 s6, s10;
	[dreg:$0x8] =	wrdreg s19  }
0x11: {  	s17 =	sshrl.u32 s15, $0x3;
	s0 =	sadd.s32 $0x33800, s0;
	[dreg:$0x9] =	wrdreg s20  }
0x12: {  	s7 =	ssub.s32 s18, s11;
	s18 =	sadd.s32 s17, s6;
	[dreg:$0x11] =	wrdreg s0  }
0x13: {  	s21 =	sor.u32 $0x10, s10;
	s7 =	smax.u32 s7, $0x1;
	[dreg:$0x4] =	wrdreg s18  }
0x14: {  	s8 =	simm.s32 $0x3;
	s13 =	sadd.s32 s1, s21;
	[dreg:$0x12] =	wrdreg s7  }
0x15: {  	s10 =	sadd.s32 $0x20, s10;
	s9 =	sadd.s32 s6, s21;
	[dreg:$0xa] =	wrdreg s13  }
0x16: {  	s11 =	simm.s32 $0x8;
	s23 =	sadd.s32 s1, s10;
	[dreg:$0xb] =	wrdreg s9  }
0x17: {  	s15 =	simm.s32 $0x6;
	s10 =	sadd.s32 s6, s10;
	[dreg:$0xc] =	wrdreg s23  }
0x18: {  	s20 =	sadd.s32 s17, s1;
	[dreg:$0xd] =	wrdreg s10;
	s13 =	sadd.s32 s25, s2  }
0x19: {  	s19 =	sadd.s32 $0x200, s3;
	[dreg:$0x5] =	wrdreg s20;
	s14 =	sadd.s32 $0x10000, s13  }
0x1a: {  	s21 =	sshrl.u32 s19, $0x3;
	s23 =	sadd.s32 $0x4000, s13;
	[dreg:$0xe] =	wrdreg s14  }
0x1b: {  	s16 =	simm.s32 $0x0;
	s22 =	sadd.s32 s21, s6;
	[dreg:$0x13] =	wrdreg s23  }
0x1c: {  	s0 =	simm.s32 $0x4300;
	s25 =	sadd.s32 $0x8000, s13;
	[dreg:$0x6] =	wrdreg s22  }
0x1d: {  	s7 =	simm.s32 $0xA;
	s26 =	sadd.s32 $0xC000, s13;
	[dreg:$0x14] =	wrdreg s25  }
0x1e: {  	s9 =	simm.s32 $0x7;
	s24 =	sadd.s32 s21, s1;
	[dreg:$0x15] =	wrdreg s26  }
0x1f: {  	s10 =	simm.s32 $0x4;
	[dreg:$0x7] =	wrdreg s24;
	s22 =	sadd.s32 $0x180, s3  }
0x20: {  	s23 =	simm.s32 $0x180;
	s24 =	simm.s32 $0x80;
	s25 =	simm.s32 $0x200  }
0x21: {  	v0 =	vimm.f32 $0.0e+00;
	s26 =	simm.s32 $0x100;
	s3 =	simm.s32 $0x8300;
	s14 =	simm.s32 $0x9  }
.LBB2_1:
0x22: {  	s17 =	rddreg [dreg:$0x8]  }
0x23: {  	[tilespmem:s4], [sflag:$0x1] =	stream.linear.gather [hbm4b:s17+s4], $0x80, $0x38;
	[tilespmem:$0x1FF00] =	vst v63  }
0x24: {  	s21 =	rddreg [dreg:$0x9]  }
0x25: {  	[tilespmem:s23], [sflag:$0x4] =	stream.linear.gather [hbm4b:s21+s4], $0x80, $0x38;
	[tilespmem:$0x1FF00] =	vst v63  }
0x26: {  	s18 =	rddreg [dreg:$0xa]  }
0x27: {  	[tilespmem:s24], [sflag:$0x2] =	stream.linear.gather [hbm4b:s18+s4], $0x80, $0x38;
	[tilespmem:$0x1FF00] =	vst v63  }
0x28: {  	s19 =	rddreg [dreg:$0xb]  }
0x29: {  	[tilespmem:s25], [sflag:$0x5] =	stream.linear.gather [hbm4b:s19+s4], $0x80, $0x38;
	[tilespmem:$0x1FF00] =	vst v63  }
0x2a: {  	s20 =	rddreg [dreg:$0xc]  }
0x2b: {  	[tilespmem:s26], [sflag:$0x3] =	stream.linear.gather [hbm4b:s20+s4], $0x80, $0x38;
	[tilespmem:$0x1FF00] =	vst v63  }
0x2c: {  	s17 =	simm.s32 $0x0;
	s21 =	rddreg [dreg:$0xd];
	s18 =	simm.s32 $0x200  }
0x2d: {  	[tilespmem:s28], [sflag:$0x6] =	stream.linear.gather [hbm4b:s21+s4], $0x80, $0x38;
	[tilespmem:$0x1FF00] =	vst v63  }
.LBB2_2:
0x2e: {  	p1 =	sne.s32 s18, $0xFE00;
	[tilespmem:s17+$0x8370] =	vst v0  }
0x2f: {  	[tilespmem:s17+$0x8300] =	vst v0  }
0x30: {  	[tilespmem:s17+$0x8310] =	vst v0  }
.Ltmp0:
0x31: {  	[tilespmem:s17+$0x8320] =	vst v0;
	(pc) =	sbr.rel @p1 .LBB2_2-.Ltmp0, $4  }
0x32: {  	[tilespmem:s17+$0x8330] =	vst v0  }
0x33: {  	[tilespmem:s17+$0x8340] =	vst v0  }
0x34: {  	[tilespmem:s17+$0x8350] =	vst v0  }
0x35: {  	[tilespmem:s17+$0x8360] =	vst v0;
	s17 =	sshra.s32 s18, $0x2;
	s18 =	sadd.s32 $0x200, s18  }
0x36: {  	[tilespmem:s17+$0x8370] =	vst v0  }
0x37: {  	[tilespmem:s17+$0x8300] =	vst v0  }
0x38: {  	[tilespmem:s17+$0x8310] =	vst v0  }
0x39: {  	[tilespmem:s17+$0x8320] =	vst v0  }
0x3a: {  	[tilespmem:s17+$0x8330] =	vst v0  }
0x3b: {  	[tilespmem:s17+$0x8340] =	vst v0  }
0x3c: {  	[tilespmem:s17+$0x8350] =	vst v0  }
0x3d: {  	[tilespmem:s17+$0x8360] =	vst v0  }
0x3e: {  	_ =	swait.ge [sflag:s29], $0x80  }
0x3f: {  	[sflag:s29] =	ssyncset.done $0x0  }
0x40: {  	s20 =	simm.s32 $0x0;
	[sflag:s29] =	ssyncadd.s32 $0xFFFFFF80  }
0x41: {  	[tilespmem:s30], [sflag:$0x7] =	stream.indirect.gather [hbm4b:s5+s24], $0x80, s20, s24, $0xb8;
	[tilespmem:$0x1FF00] =	vst v63  }
0x42: {  	_ =	swait.ge [sflag:s31], $0x80  }
0x43: {  	[sflag:s31] =	ssyncset.done $0x0  }
0x44: {  	[sflag:s31] =	ssyncadd.s32 $0xFFFFFF80  }
0x45: {  	[tilespmem:s0], [sflag:$0x8] =	stream.indirect.gather [hbm4b:s5+s24], $0x80, s24, s24, $0xb8;
	[tilespmem:$0x1FF00] =	vst v63  }
0x46: {  	_ = 	snop  }
0x47: {  	[spmem:s13] =	stream.linear.scatter [tilespmem:s3], [sflag:$0xA], $0x4000, $0x38;
	[tilespmem:$0x1FF00] =	vst v63  }
0x48: {  	_ =	swait.ge [sflag:s7], $0x4000  }
0x49: {  	[sflag:s7] =	ssyncset.done $0x0  }
0x4a: {  	s21 =	rddreg [dreg:$0x13];
	[sflag:s7] =	ssyncadd.s32 $0xFFFFC000  }
0x4b: {  	[spmem:s21] =	stream.linear.scatter [tilespmem:s3], [sflag:$0xA], $0x4000, $0x38;
	[tilespmem:$0x1FF00] =	vst v63  }
0x4c: {  	_ =	swait.ge [sflag:s7], $0x4000  }
0x4d: {  	[sflag:s7] =	ssyncset.done $0x0  }
0x4e: {  	s18 =	rddreg [dreg:$0x14];
	[sflag:s7] =	ssyncadd.s32 $0xFFFFC000  }
0x4f: {  	[spmem:s18] =	stream.linear.scatter [tilespmem:s3], [sflag:$0xA], $0x4000, $0x38;
	[tilespmem:$0x1FF00] =	vst v63  }
0x50: {  	_ =	swait.ge [sflag:s7], $0x4000  }
0x51: {  	[sflag:s7] =	ssyncset.done $0x0  }
0x52: {  	s19 =	rddreg [dreg:$0x15];
	[sflag:s7] =	ssyncadd.s32 $0xFFFFC000  }
0x53: {  	[spmem:s19] =	stream.linear.scatter [tilespmem:s3], [sflag:$0xA], $0x4000, $0x38;
	[tilespmem:$0x1FF00] =	vst v63  }
0x54: {  	_ =	swait.ge [sflag:s7], $0x4000  }
0x55: {  	[sflag:s7] =	ssyncset.done $0x0  }
0x56: {  	s20 =	rddreg [dreg:$0xe];
	[sflag:s7] =	ssyncadd.s32 $0xFFFFC000  }
0x57: {  	[spmem:s20] =	stream.linear.scatter [tilespmem:s3], [sflag:$0xA], $0x3C00, $0x38;
	[tilespmem:$0x1FF00] =	vst v63  }
0x58: {  	_ =	swait.ge [sflag:s7], $0x3C00  }
0x59: {  	[sflag:s7] =	ssyncset.done $0x0  }
0x5a: {  	[sflag:s7] =	ssyncadd.s32 $0xFFFFC400  }
0x5b: {  	_ =	swait.ge [sflag:s8], $0x80  }
0x5c: {  	[sflag:s8] =	ssyncset.done $0x0  }
0x5d: {  	[sflag:s8] =	ssyncadd.s32 $0xFFFFFF80  }
0x5e: {  	[tilespmem:s3], [sflag:$0x9] =	stream.indirect.gather [hbm4b:s5+s24], $0x80, s26, s24, $0xb8;
	[tilespmem:$0x1FF00] =	vst v63  }
0x5f: {  	[bflag:$0x0] =	sbarrier.arrive $0xFFFF  }
0x60: {  	_ =	swait.ge [sflag:s9], $0x4000  }
0x61: {  	s21 =	sshrl.u32 s22, $0x3;
	[sflag:s9] =	ssyncset.done $0x0  }
0x62: {  	s18 =	sadd.s32 s1, s21;
	[sflag:s9] =	ssyncadd.s32 $0xFFFFC000  }
0x63: {  	[tilespmem:s4], [sflag:$0x1] =	stream.linear.gather [hbm4b:s18+s4], $0x80, $0x38;
	[tilespmem:$0x1FF00] =	vst v63  }
0x64: {  	_ =	swait.ge [sflag:s10], $0x80  }
0x65: {  	[sflag:s10] =	ssyncset.done $0x0  }
0x66: {  	[sflag:s10] =	ssyncadd.s32 $0xFFFFFF80  }
0x67: {  	[spmem:s2] =	stream.indirect.scatter.add.f32 [tilespmem:s30], [sflag:$0xA], $0x80, s23, s24, $0xb8;
	[tilespmem:$0x1FF00] =	vst v63  }
0x68: {  	_ =	swait.ge [sflag:s7], $0x4000  }
0x69: {  	[sflag:s7] =	ssyncset.done $0x0  }
0x6a: {  	s17 =	sadd.s32 s6, s21;
	[sflag:s7] =	ssyncadd.s32 $0xFFFFC000  }
0x6b: {  	[tilespmem:s23], [sflag:$0x4] =	stream.linear.gather [hbm4b:s17+s4], $0x80, $0x38;
	[tilespmem:$0x1FF00] =	vst v63  }
0x6c: {  	_ =	swait.ge [sflag:s29], $0x80  }
0x6d: {  	[sflag:s29] =	ssyncset.done $0x0  }
0x6e: {  	[sflag:s29] =	ssyncadd.s32 $0xFFFFFF80  }
0x6f: {  	[tilespmem:s30], [sflag:$0x7] =	stream.indirect.gather [hbm4b:s5+s24], $0x80, s4, s24, $0xb8;
	[tilespmem:$0x1FF00] =	vst v63  }
0x70: {  	_ =	swait.ge [sflag:s11], $0x4000  }
0x71: {  	s18 =	rddreg [dreg:$0x7];
	[sflag:s11] =	ssyncset.done $0x0  }
0x72: {  	[sflag:s11] =	ssyncadd.s32 $0xFFFFC000;
	s17 =	sadd.s32 $0x0, s18  }
0x73: {  	[tilespmem:s24], [sflag:$0x2] =	stream.linear.gather [hbm4b:s17+s4], $0x80, $0x38;
	[tilespmem:$0x1FF00] =	vst v63  }
0x74: {  	_ =	swait.ge [sflag:s12], $0x80  }
0x75: {  	[sflag:s12] =	ssyncset.done $0x0  }
0x76: {  	[sflag:s12] =	ssyncadd.s32 $0xFFFFFF80  }
0x77: {  	[spmem:s2] =	stream.indirect.scatter.add.f32 [tilespmem:s0], [sflag:$0xA], $0x80, s25, s24, $0xb8;
	[tilespmem:$0x1FF00] =	vst v63  }
0x78: {  	_ =	swait.ge [sflag:s7], $0x4000  }
0x79: {  	s19 =	rddreg [dreg:$0x6];
	[sflag:s7] =	ssyncset.done $0x0  }
0x7a: {  	[sflag:s7] =	ssyncadd.s32 $0xFFFFC000;
	s17 =	sadd.s32 $0x0, s19  }
0x7b: {  	[tilespmem:s25], [sflag:$0x5] =	stream.linear.gather [hbm4b:s17+s4], $0x80, $0x38;
	[tilespmem:$0x1FF00] =	vst v63  }
0x7c: {  	_ =	swait.ge [sflag:s31], $0x80  }
0x7d: {  	[sflag:s31] =	ssyncset.done $0x0  }
0x7e: {  	[sflag:s31] =	ssyncadd.s32 $0xFFFFFF80  }
0x7f: {  	[tilespmem:s0], [sflag:$0x8] =	stream.indirect.gather [hbm4b:s5+s24], $0x80, s24, s24, $0xb8;
	[tilespmem:$0x1FF00] =	vst v63  }
0x80: {  	_ =	swait.ge [sflag:s14], $0x4000  }
0x81: {  	s20 =	rddreg [dreg:$0x5];
	[sflag:s14] =	ssyncset.done $0x0  }
0x82: {  	[sflag:s14] =	ssyncadd.s32 $0xFFFFC000;
	s17 =	sadd.s32 $0x0, s20  }
0x83: {  	[tilespmem:s26], [sflag:$0x3] =	stream.linear.gather [hbm4b:s17+s4], $0x80, $0x38;
	[tilespmem:$0x1FF00] =	vst v63  }
0x84: {  	_ =	swait.ge [sflag:s15], $0x80  }
0x85: {  	[sflag:s15] =	ssyncset.done $0x0  }
0x86: {  	[sflag:s15] =	ssyncadd.s32 $0xFFFFFF80  }
0x87: {  	[spmem:s2] =	stream.indirect.scatter.add.f32 [tilespmem:s3], [sflag:$0xA], $0x80, s28, s24, $0xb8;
	[tilespmem:$0x1FF00] =	vst v63  }
0x88: {  	_ =	swait.ge [sflag:s7], $0x4000  }
0x89: {  	s21 =	rddreg [dreg:$0x4];
	[sflag:s7] =	ssyncset.done $0x0  }
0x8a: {  	[sflag:s7] =	ssyncadd.s32 $0xFFFFC000;
	s17 =	sadd.s32 $0x0, s21  }
0x8b: {  	[tilespmem:s28], [sflag:$0x6] =	stream.linear.gather [hbm4b:s17+s4], $0x80, $0x38;
	[tilespmem:$0x1FF00] =	vst v63  }
0x8c: {  	_ =	swait.ge [sflag:s8], $0x80  }
0x8d: {  	[sflag:s8] =	ssyncset.done $0x0  }
0x8e: {  	[sflag:s8] =	ssyncadd.s32 $0xFFFFFF80  }
0x8f: {  	[tilespmem:s3], [sflag:$0x9] =	stream.indirect.gather [hbm4b:s5+s24], $0x80, s26, s24, $0xb8;
	[tilespmem:$0x1FF00] =	vst v63  }
0x90: {  	s18 =	sadd.s32 $0x180, s22;
	s19 =	simm.s32 $0x60;
	_ =	swait.ge [sflag:s9], $0x4000  }
0x91: {  	s21 =	sshrl.u32 s18, $0x3;
	s17 =	simm.s32 $0x30;
	[sflag:s9] =	ssyncset.done $0x0  }
.LBB2_4:
0x92: {  	s20 =	sadd.s32 s1, s21;
	[sflag:s9] =	ssyncadd.s32 $0xFFFFC000  }
0x93: {  	[tilespmem:s4], [sflag:$0x1] =	stream.linear.gather [hbm4b:s20+s4], $0x80, $0x38;
	[tilespmem:$0x1FF00] =	vst v63  }
0x94: {  	_ =	swait.ge [sflag:s10], $0x80  }
0x95: {  	[sflag:s10] =	ssyncset.done $0x0  }
0x96: {  	[sflag:s10] =	ssyncadd.s32 $0xFFFFFF80  }
0x97: {  	[spmem:s2] =	stream.indirect.scatter.add.f32 [tilespmem:s30], [sflag:$0xA], $0x80, s23, s24, $0xb8;
	[tilespmem:$0x1FF00] =	vst v63  }
0x98: {  	_ =	swait.ge [sflag:s7], $0x4000  }
0x99: {  	[sflag:s7] =	ssyncset.done $0x0  }
0x9a: {  	s21 =	sadd.s32 s6, s21;
	[sflag:s7] =	ssyncadd.s32 $0xFFFFC000  }
0x9b: {  	[tilespmem:s23], [sflag:$0x4] =	stream.linear.gather [hbm4b:s21+s4], $0x80, $0x38;
	[tilespmem:$0x1FF00] =	vst v63  }
0x9c: {  	_ =	swait.ge [sflag:s29], $0x80  }
0x9d: {  	[sflag:s29] =	ssyncset.done $0x0  }
0x9e: {  	[sflag:s29] =	ssyncadd.s32 $0xFFFFFF80  }
0x9f: {  	[tilespmem:s30], [sflag:$0x7] =	stream.indirect.gather [hbm4b:s5+s24], $0x80, s4, s24, $0xb8;
	[tilespmem:$0x1FF00] =	vst v63  }
0xa0: {  	_ =	swait.ge [sflag:s11], $0x4000  }
0xa1: {  	s21 =	rddreg [dreg:$0x7];
	[sflag:s11] =	ssyncset.done $0x0  }
0xa2: {  	[sflag:s11] =	ssyncadd.s32 $0xFFFFC000;
	s21 =	sadd.s32 s17, s21  }
0xa3: {  	[tilespmem:s24], [sflag:$0x2] =	stream.linear.gather [hbm4b:s21+s4], $0x80, $0x38;
	[tilespmem:$0x1FF00] =	vst v63  }
0xa4: {  	_ =	swait.ge [sflag:s12], $0x80  }
0xa5: {  	[sflag:s12] =	ssyncset.done $0x0  }
0xa6: {  	[sflag:s12] =	ssyncadd.s32 $0xFFFFFF80  }
0xa7: {  	[spmem:s2] =	stream.indirect.scatter.add.f32 [tilespmem:s0], [sflag:$0xA], $0x80, s25, s24, $0xb8;
	[tilespmem:$0x1FF00] =	vst v63  }
0xa8: {  	_ =	swait.ge [sflag:s7], $0x4000  }
0xa9: {  	s21 =	rddreg [dreg:$0x6];
	[sflag:s7] =	ssyncset.done $0x0  }
0xaa: {  	[sflag:s7] =	ssyncadd.s32 $0xFFFFC000;
	s21 =	sadd.s32 s17, s21  }
0xab: {  	[tilespmem:s25], [sflag:$0x5] =	stream.linear.gather [hbm4b:s21+s4], $0x80, $0x38;
	[tilespmem:$0x1FF00] =	vst v63  }
0xac: {  	_ =	swait.ge [sflag:s31], $0x80  }
0xad: {  	[sflag:s31] =	ssyncset.done $0x0  }
0xae: {  	[sflag:s31] =	ssyncadd.s32 $0xFFFFFF80  }
0xaf: {  	[tilespmem:s0], [sflag:$0x8] =	stream.indirect.gather [hbm4b:s5+s24], $0x80, s24, s24, $0xb8;
	[tilespmem:$0x1FF00] =	vst v63  }
0xb0: {  	_ =	swait.ge [sflag:s14], $0x4000  }
0xb1: {  	s21 =	rddreg [dreg:$0x5];
	[sflag:s14] =	ssyncset.done $0x0  }
0xb2: {  	[sflag:s14] =	ssyncadd.s32 $0xFFFFC000;
	s21 =	sadd.s32 s17, s21  }
0xb3: {  	[tilespmem:s26], [sflag:$0x3] =	stream.linear.gather [hbm4b:s21+s4], $0x80, $0x38;
	[tilespmem:$0x1FF00] =	vst v63  }
0xb4: {  	_ =	swait.ge [sflag:s15], $0x80  }
0xb5: {  	[sflag:s15] =	ssyncset.done $0x0  }
0xb6: {  	[sflag:s15] =	ssyncadd.s32 $0xFFFFFF80  }
0xb7: {  	[spmem:s2] =	stream.indirect.scatter.add.f32 [tilespmem:s3], [sflag:$0xA], $0x80, s28, s24, $0xb8;
	[tilespmem:$0x1FF00] =	vst v63  }
0xb8: {  	_ =	swait.ge [sflag:s7], $0x4000  }
0xb9: {  	s21 =	rddreg [dreg:$0x4];
	[sflag:s7] =	ssyncset.done $0x0  }
0xba: {  	[sflag:s7] =	ssyncadd.s32 $0xFFFFC000;
	s21 =	sadd.s32 s17, s21  }
0xbb: {  	[tilespmem:s28], [sflag:$0x6] =	stream.linear.gather [hbm4b:s21+s4], $0x80, $0x38;
	[tilespmem:$0x1FF00] =	vst v63  }
0xbc: {  	p1 =	sne.s32 s19, $0x480;
	_ =	swait.ge [sflag:s8], $0x80  }
.Ltmp1:
0xbd: {  	[sflag:s8] =	ssyncset.done $0x0;
	(pc) =	sbr.rel @p1 .LBB2_4-.Ltmp1, $4  }
0xbe: {  	s18 =	sadd.s32 $0x180, s18;
	[sflag:s8] =	ssyncadd.s32 $0xFFFFFF80  }
0xbf: {  	[tilespmem:s3], [sflag:$0x9] =	stream.indirect.gather [hbm4b:s5+s24], $0x80, s26, s24, $0xb8;
	[tilespmem:$0x1FF00] =	vst v63  }
0xc0: {  	s20 =	smov.u32 s19;
	s19 =	sadd.s32 $0x30, s19;
	_ =	swait.ge [sflag:s9], $0x4000  }
0xc1: {  	s17 =	smov.u32 s20;
	s21 =	sshrl.u32 s18, $0x3;
	[sflag:s9] =	ssyncset.done $0x0  }
0xc2: {  	s18 =	sadd.s32 s1, s21;
	[sflag:s9] =	ssyncadd.s32 $0xFFFFC000  }
0xc3: {  	[tilespmem:s4], [sflag:$0x1] =	stream.linear.gather [hbm4b:s18+s4], $0x80, $0x38;
	[tilespmem:$0x1FF00] =	vst v63  }
0xc4: {  	_ =	swait.ge [sflag:s10], $0x80  }
0xc5: {  	[sflag:s10] =	ssyncset.done $0x0  }
0xc6: {  	[sflag:s10] =	ssyncadd.s32 $0xFFFFFF80  }
0xc7: {  	[spmem:s2] =	stream.indirect.scatter.add.f32 [tilespmem:s30], [sflag:$0xA], $0x80, s23, s24, $0xb8;
	[tilespmem:$0x1FF00] =	vst v63  }
0xc8: {  	_ =	swait.ge [sflag:s7], $0x4000  }
0xc9: {  	[sflag:s7] =	ssyncset.done $0x0  }
0xca: {  	s19 =	sadd.s32 s6, s21;
	[sflag:s7] =	ssyncadd.s32 $0xFFFFC000  }
0xcb: {  	[tilespmem:s23], [sflag:$0x4] =	stream.linear.gather [hbm4b:s19+s4], $0x80, $0x38;
	[tilespmem:$0x1FF00] =	vst v63  }
0xcc: {  	_ =	swait.ge [sflag:s29], $0x80  }
0xcd: {  	[sflag:s29] =	ssyncset.done $0x0  }
0xce: {  	[sflag:s29] =	ssyncadd.s32 $0xFFFFFF80  }
0xcf: {  	[tilespmem:s30], [sflag:$0x7] =	stream.indirect.gather [hbm4b:s5+s24], $0x80, s4, s24, $0xb8;
	[tilespmem:$0x1FF00] =	vst v63  }
0xd0: {  	_ =	swait.ge [sflag:s11], $0x4000  }
0xd1: {  	s20 =	rddreg [dreg:$0x7];
	[sflag:s11] =	ssyncset.done $0x0  }
0xd2: {  	[sflag:s11] =	ssyncadd.s32 $0xFFFFC000;
	s18 =	sadd.s32 s17, s20  }
0xd3: {  	[tilespmem:s24], [sflag:$0x2] =	stream.linear.gather [hbm4b:s18+s4], $0x80, $0x38;
	[tilespmem:$0x1FF00] =	vst v63  }
0xd4: {  	_ =	swait.ge [sflag:s12], $0x80  }
0xd5: {  	[sflag:s12] =	ssyncset.done $0x0  }
0xd6: {  	[sflag:s12] =	ssyncadd.s32 $0xFFFFFF80  }
0xd7: {  	[spmem:s2] =	stream.indirect.scatter.add.f32 [tilespmem:s0], [sflag:$0xA], $0x80, s25, s24, $0xb8;
	[tilespmem:$0x1FF00] =	vst v63  }
0xd8: {  	_ =	swait.ge [sflag:s7], $0x4000  }
0xd9: {  	s21 =	rddreg [dreg:$0x6];
	[sflag:s7] =	ssyncset.done $0x0  }
0xda: {  	[sflag:s7] =	ssyncadd.s32 $0xFFFFC000;
	s18 =	sadd.s32 s17, s21  }
0xdb: {  	[tilespmem:s25], [sflag:$0x5] =	stream.linear.gather [hbm4b:s18+s4], $0x80, $0x38;
	[tilespmem:$0x1FF00] =	vst v63  }
0xdc: {  	_ =	swait.ge [sflag:s31], $0x80  }
0xdd: {  	[sflag:s31] =	ssyncset.done $0x0  }
0xde: {  	[sflag:s31] =	ssyncadd.s32 $0xFFFFFF80  }
0xdf: {  	[tilespmem:s0], [sflag:$0x8] =	stream.indirect.gather [hbm4b:s5+s24], $0x80, s24, s24, $0xb8;
	[tilespmem:$0x1FF00] =	vst v63  }
0xe0: {  	_ =	swait.ge [sflag:s14], $0x4000  }
0xe1: {  	s19 =	rddreg [dreg:$0x5];
	[sflag:s14] =	ssyncset.done $0x0  }
0xe2: {  	[sflag:s14] =	ssyncadd.s32 $0xFFFFC000;
	s18 =	sadd.s32 s17, s19  }
0xe3: {  	[tilespmem:s26], [sflag:$0x3] =	stream.linear.gather [hbm4b:s18+s4], $0x80, $0x38;
	[tilespmem:$0x1FF00] =	vst v63  }
0xe4: {  	_ =	swait.ge [sflag:s15], $0x80  }
0xe5: {  	[sflag:s15] =	ssyncset.done $0x0  }
0xe6: {  	[sflag:s15] =	ssyncadd.s32 $0xFFFFFF80  }
0xe7: {  	[spmem:s2] =	stream.indirect.scatter.add.f32 [tilespmem:s3], [sflag:$0xA], $0x80, s28, s24, $0xb8;
	[tilespmem:$0x1FF00] =	vst v63  }
0xe8: {  	_ =	swait.ge [sflag:s7], $0x4000  }
0xe9: {  	s20 =	rddreg [dreg:$0x4];
	[sflag:s7] =	ssyncset.done $0x0  }
0xea: {  	[sflag:s7] =	ssyncadd.s32 $0xFFFFC000;
	s21 =	sadd.s32 s17, s20  }
0xeb: {  	[tilespmem:s28], [sflag:$0x6] =	stream.linear.gather [hbm4b:s21+s4], $0x80, $0x38;
	[tilespmem:$0x1FF00] =	vst v63  }
0xec: {  	_ =	swait.ge [sflag:s8], $0x80  }
0xed: {  	[sflag:s8] =	ssyncset.done $0x0  }
0xee: {  	[sflag:s8] =	ssyncadd.s32 $0xFFFFFF80  }
0xef: {  	[tilespmem:s3], [sflag:$0x9] =	stream.indirect.gather [hbm4b:s5+s24], $0x80, s26, s24, $0xb8;
	[tilespmem:$0x1FF00] =	vst v63  }
0xf0: {  	_ =	swait.ge [sflag:s9], $0x4000  }
0xf1: {  	[sflag:s9] =	ssyncset.done $0x0  }
0xf2: {  	[sflag:s9] =	ssyncadd.s32 $0xFFFFC000  }
0xf3: {  	_ =	swait.ge [sflag:s10], $0x80  }
0xf4: {  	[sflag:s10] =	ssyncset.done $0x0  }
0xf5: {  	[sflag:s10] =	ssyncadd.s32 $0xFFFFFF80  }
0xf6: {  	[spmem:s2] =	stream.indirect.scatter.add.f32 [tilespmem:s30], [sflag:$0xA], $0x80, s23, s24, $0xb8;
	[tilespmem:$0x1FF00] =	vst v63  }
0xf7: {  	_ =	swait.ge [sflag:s7], $0x4000  }
0xf8: {  	[sflag:s7] =	ssyncset.done $0x0  }
0xf9: {  	[sflag:s7] =	ssyncadd.s32 $0xFFFFC000  }
0xfa: {  	_ =	swait.ge [sflag:s11], $0x4000  }
0xfb: {  	[sflag:s11] =	ssyncset.done $0x0  }
0xfc: {  	[sflag:s11] =	ssyncadd.s32 $0xFFFFC000  }
0xfd: {  	_ =	swait.ge [sflag:s12], $0x80  }
0xfe: {  	[sflag:s12] =	ssyncset.done $0x0  }
0xff: {  	[sflag:s12] =	ssyncadd.s32 $0xFFFFFF80  }
0x100: {  	[spmem:s2] =	stream.indirect.scatter.add.f32 [tilespmem:s0], [sflag:$0xA], $0x80, s25, s24, $0xb8;
	[tilespmem:$0x1FF00] =	vst v63  }
0x101: {  	_ =	swait.ge [sflag:s7], $0x4000  }
0x102: {  	[sflag:s7] =	ssyncset.done $0x0  }
0x103: {  	[sflag:s7] =	ssyncadd.s32 $0xFFFFC000  }
0x104: {  	_ =	swait.ge [sflag:s14], $0x4000  }
0x105: {  	[sflag:s14] =	ssyncset.done $0x0  }
0x106: {  	[sflag:s14] =	ssyncadd.s32 $0xFFFFC000  }
0x107: {  	_ =	swait.ge [sflag:s15], $0x80  }
0x108: {  	[sflag:s15] =	ssyncset.done $0x0  }
0x109: {  	[sflag:s15] =	ssyncadd.s32 $0xFFFFFF80  }
0x10a: {  	[spmem:s2] =	stream.indirect.scatter.add.f32 [tilespmem:s3], [sflag:$0xA], $0x80, s28, s24, $0xb8;
	[tilespmem:$0x1FF00] =	vst v63  }
0x10b: {  	_ =	swait.ge [sflag:s7], $0x4000  }
0x10c: {  	[sflag:s7] =	ssyncset.done $0x0  }
0x10d: {  	s17 =	simm.s32 @!p0 $0x0;
	s18 =	rddreg [dreg:$0xf];
	[sflag:s7] =	ssyncadd.s32 $0xFFFFC000  }
0x10e: {  	[tilespmem:s17], [sflag:$0xA] =	stream.linear.gather @!p0 [hbm4b:s18+s17], $0x80, $0x38;
	[tilespmem:$0x1FF00] =	vst v63  }
0x10f: {  	s18 =	simm.s32 @!p0 $0xA  }
0x110: {  	_ =	swait.ge @!p0 [sflag:s18], $0x80  }
0x111: {  	[sflag:s18] =	ssyncset.done @!p0 $0x0  }
0x112: {  	s19 =	simm.s32 @!p0 $0x180;
	s20 =	rddreg [dreg:$0x10];
	[sflag:s18] =	ssyncadd.s32 @!p0 $0xFFFFFF80  }
0x113: {  	[tilespmem:s19], [sflag:$0xA] =	stream.linear.gather @!p0 [hbm4b:s20+s17], $0x80, $0x38;
	[tilespmem:$0x1FF00] =	vst v63  }
0x114: {  	_ =	swait.ge @!p0 [sflag:s18], $0x80  }
0x115: {  	[sflag:s18] =	ssyncset.done @!p0 $0x0  }
0x116: {  	s21 =	simm.s32 @!p0 $0x300;
	s20 =	simm.s32 @!p0 $0x80;
	[sflag:s18] =	ssyncadd.s32 @!p0 $0xFFFFFF80  }
0x117: {  	[tilespmem:s21], [sflag:$0x7] =	stream.indirect.gather @!p0 [hbm4b:s5+s20], $0x80, s17, s20, $0xb8;
	[tilespmem:$0x1FF00] =	vst v63  }
0x118: {  	s17 =	simm.s32 @!p0 $0x7  }
0x119: {  	_ =	swait.ge @!p0 [sflag:s17], $0x4000  }
0x11a: {  	[sflag:s17] =	ssyncset.done @!p0 $0x0  }
0x11b: {  	[sflag:s17] =	ssyncadd.s32 @!p0 $0xFFFFC000  }
0x11c: {  	[spmem:s2] =	stream.indirect.scatter.add.f32 @!p0 [tilespmem:s21], [sflag:$0xA], $0x80, s19, s20, $0xb8;
	[tilespmem:$0x1FF00] =	vst v63  }
0x11d: {  	_ =	swait.ge @!p0 [sflag:s18], $0x4000  }
0x11e: {  	[sflag:s18] =	ssyncset.done @!p0 $0x0  }
0x11f: {  	[sflag:s18] =	ssyncadd.s32 @!p0 $0xFFFFC000;
	s18 =	stileid.u32  }
0x120: {  	s17 =	sshll.u32 s18, $0x6;
	[bflag:$0x0] =	sbarrier.arrive $0xFFFF  }
0x121: {  	s19 =	sshrl.u32 s13, $0x3;
	s17 =	sor.u32 $0x1C0A, s17;
	s20 =	rddreg [dreg:$0x11]  }
0x122: {  	[hbm:s20], [sflag:s17] =	dma.local [spmem:s19], $0x2780  }
0x123: {  	_ =	swait.ge [sflag:s7], $0x2780  }
0x124: {  	s16 =	sadd.s32 $0x1, s16;
	s21 =	rddreg [dreg:$0x12]  }
0x125: {  	p1 =	sne.s32 s16, s21  }
.Ltmp2:
0x126: {  	_ = 	snop;
	(pc) =	sbr.rel @p1 .LBB2_1-.Ltmp2, $3  }
0x127: {  	_ =	sdelay $0x1  }
0x128: {  	[sflag:s7] =	ssyncset.done $0x0  }
0x129: {  	[sflag:s7] =	ssyncadd.s32 $0xFFFFD880  }
0x12a: {  	_ =	sfence.sel $0x180000  }
0x12b: {  	[bflag:$0x0] =	sbarrier.arrive $0xFFFF  }
0x12c: {  	_ =	strace $0x9000004A  }
0x12d: {  	s0 =	stileid.u32;
	[bflag:$0x2] =	sbarrier.arrive $0xFFFF  }
0x12e: {  	p0 =	sne.s32 s0, $0x0;
	s0 =	rddreg [dreg:$0x3]  }
0x12f: {  	s0 =	sadd.s32 @!p0 $0x100000, s0  }
0x130: {  	[sflag:s0] =	ssyncadd.tile.s32 @!p0 $0x1;
	_ =	shalt  }
.Lfunc_end2:
_tile_overlayer_lowered:
.L_overlay_start_2:
0x131: {  	(tag) =	ssettag $0x2  }
0x132: {  	s0 =	rddreg [dreg:$0x0];
	s2 =	stileid.u32  }
0x133: {  	s1 =	rddreg [dreg:$0x1];
	p0 =	sne.s32 s2, $0x0  }
0x134: {  	s3 =	rddreg [dreg:$0x2];
	[bflag:$0x3] =	sbarrier.arrive $0xFFFF;
	s2 =	simm.s32 @!p0 $0x1C0A  }
0x135: {  	[timem:s3], [sflag:s2] =	dma.local @!p0 [hbm:s0], s1  }
0x136: {  	s0 =	simm.s32 @!p0 $0xA  }
0x137: {  	_ =	swait.ge @!p0 [sflag:s0], s1  }
0x138: {  	s1 =	ssub.s32 @!p0 $0x0, s1;
	[sflag:s0] =	ssyncset.done @!p0 $0x0  }
0x139: {  	[sflag:s0] =	ssyncadd.s32 @!p0 s1  }
0x13a: {  	[bflag:$0x3] =	sbarrier.arrive $0xFFFF  }
0x13b: {  	_ =	shalt  }

</sc_bundles>
